<compile_context>
chip_gen: v7x
topology: tpu7x:2x2x1
jax: 0.10.2.dev20260603
libtpu: 0.0.44.dev20260713+nightly
codegen_flags: <defaults>
</compile_context>

<pallas_src>
import functools

import jax
import jax.numpy as jnp
from jax import lax
from jax.experimental import pallas as pl
from jax.experimental.pallas import tpu as pltpu
from jax.experimental.pallas import tpu_sc as plsc

B, S, D = 4, 8192, 768
NC, NS = 2, 16
NW = NC * NS
ROWS_PER_W = (B * S) // NW
SEG = S // (NW // B)
CHUNK = 32
NBUF = 4
AHEAD = NBUF - 1
NCHUNKS = ROWS_PER_W // CHUNK
LANES = 16


@functools.lru_cache(maxsize=1)
def _build():
    mesh = plsc.VectorSubcoreMesh(core_axis_name="c", subcore_axis_name="s")

    @functools.partial(
        pl.kernel,
        mesh=mesh,
        out_type=jax.ShapeDtypeStruct((B * S, D), jnp.float32),
        scratch_types=(
            [pltpu.VMEM((SEG,), jnp.int32)]
            + [pltpu.VMEM((CHUNK, D), jnp.float32) for _ in range(NBUF)]
            + [pltpu.SemaphoreType.DMA for _ in range(2 * NBUF)]
        ),
    )
    def reindex_sc(x_hbm, map_hbm, out_hbm, idx_v, *rest):
        bufs = rest[:NBUF]
        gsems = rest[NBUF:2 * NBUF]
        wsems = rest[2 * NBUF:]

        wid = lax.axis_index("c") * NS + lax.axis_index("s")
        b = wid // (NW // B)
        p = wid % (NW // B)

        pltpu.sync_copy(map_hbm.at[pl.ds(p * SEG, SEG)], idx_v)
        off = b * S
        for k in range(SEG // LANES):
            sl = pl.ds(k * LANES, LANES)
            idx_v[sl] = idx_v[sl] + off

        out_base = wid * ROWS_PER_W

        def gather(g, slot):
            h = pltpu.make_async_copy(
                x_hbm.at[pl.ds(out_base + g * CHUNK, CHUNK)],
                bufs[slot],
                gsems[slot],
            )
            h.start()
            return h

        def writeback(g, slot):
            h = pltpu.make_async_copy(
                bufs[slot],
                out_hbm.at[pl.ds(out_base + g * CHUNK, CHUNK)],
                wsems[slot],
            )
            h.start()
            return h

        gh = [None] * NBUF
        wh = [None] * NBUF
        gh[0] = gather(0, 0)
        gh[0].wait()
        wh[0] = writeback(0, 0)
        wh[0].wait()

    return reindex_sc


@jax.jit
def kernel(x, routing_map):
    xf = x.reshape(B * S, D)
    out = _build()(xf, routing_map)
    return out.reshape(B, S, D)

# --- scband reference (transcript-rebuilt; emitter-appended) ---
"""Pipeline reference for scband-reindex-65412351918204 (READ-ONLY COPY).

The authoritative reference and input builder live on the scoring server;
editing this copy changes nothing except your own understanding.
"""

import jax, jax.numpy as jnp
import numpy as np


def setup_inputs(seed: int = 0) -> dict:
    key = jax.random.key(seed)
    k1, k2 = jax.random.split(key)
    x = jax.random.normal(k1, (4, 8192, 768), dtype=jnp.float32)
    routing_map = jax.random.randint(k2, (8192,), 0, 8192, dtype=jnp.int32)
    return {"x": x, "routing_map": routing_map}


def reference(x, routing_map):
    # Faithful translation of Reindex.forward with a fixed (pre-initialized)
    # routing map: X_reindexed = X[:, routing_map, :].
    # This is a pure gather along the positional (sequence) axis.
    x_reindexed = jnp.take(x, routing_map, axis=1)
    return x_reindexed

if __name__ == "__main__":
    import jax
    _d = setup_inputs()
    print(jax.jit(kernel)(*tuple(_d.values())))

</pallas_src>

<mosaic_0001>
#map = affine_map<(d0, d1) -> (0, 0)>
#map1 = affine_map<(d0, d1) -> (0)>
module attributes {stable_mosaic.version = 14 : i64} {
  func.func @reindex_sc(%arg0: i32, %arg1: i32, %arg2: memref<32768x768xf32, #tpu.memory_space<hbm>>, %arg3: memref<8192xi32, #tpu.memory_space<hbm>>, %arg4: memref<32768x768xf32, #tpu.memory_space<hbm>>, %arg5: memref<1024xi32, #tpu.memory_space<vmem>>, %arg6: memref<32x768xf32, #tpu.memory_space<vmem>>, %arg7: memref<32x768xf32, #tpu.memory_space<vmem>>, %arg8: memref<32x768xf32, #tpu.memory_space<vmem>>, %arg9: memref<32x768xf32, #tpu.memory_space<vmem>>, %arg10: memref<!tpu.dma_semaphore, #tpu.memory_space<semaphore_mem>>, %arg11: memref<!tpu.dma_semaphore, #tpu.memory_space<semaphore_mem>>, %arg12: memref<!tpu.dma_semaphore, #tpu.memory_space<semaphore_mem>>, %arg13: memref<!tpu.dma_semaphore, #tpu.memory_space<semaphore_mem>>, %arg14: memref<!tpu.dma_semaphore, #tpu.memory_space<semaphore_mem>>, %arg15: memref<!tpu.dma_semaphore, #tpu.memory_space<semaphore_mem>>, %arg16: memref<!tpu.dma_semaphore, #tpu.memory_space<semaphore_mem>>, %arg17: memref<!tpu.dma_semaphore, #tpu.memory_space<semaphore_mem>>) attributes {dimension_semantics = [#tpu.dimension_semantics<core_parallel>, #tpu.dimension_semantics<subcore_parallel>], iteration_bounds = array<i64: 2, 16>, scalar_prefetch = 0 : i64, scratch_operands = 13 : i64, tpu.core_type = #tpu.core_type<sc_vector_subcore>, window_params = [{transform_indices = #map}, {transform_indices = #map1}, {transform_indices = #map}]} {
    %mul3A = arith.constant 16 : i32
    %mul3A_0 = arith.muli %arg0, %mul3A : i32
    %add3A = arith.addi %mul3A_0, %arg1 : i32
    %jit3A = arith.constant 8 : i32
    %div3A = arith.divsi %add3A, %jit3A : i32
    %sign3A = arith.constant 0 : i32
    %sign3A_1 = arith.cmpi sgt, %add3A, %sign3A : i32
    %sign3A_2 = arith.extui %sign3A_1 : i1 to i32
    %sign3A_3 = arith.constant 0 : i32
    %sign3A_4 = arith.cmpi slt, %add3A, %sign3A_3 : i32
    %sign3A_5 = arith.extui %sign3A_4 : i1 to i32
    %sign3A_6 = arith.subi %sign3A_2, %sign3A_5 : i32
    %sign3A_7 = arith.constant 0 : i32
    %sign3A_8 = arith.cmpi sgt, %jit3A, %sign3A_7 : i32
    %sign3A_9 = arith.extui %sign3A_8 : i1 to i32
    %sign3A_10 = arith.constant 0 : i32
    %sign3A_11 = arith.cmpi slt, %jit3A, %sign3A_10 : i32
    %sign3A_12 = arith.extui %sign3A_11 : i1 to i32
    %sign3A_13 = arith.subi %sign3A_9, %sign3A_12 : i32
    %ne3A = arith.cmpi ne, %sign3A_6, %sign3A_13 : i32
    %rem3A = arith.remsi %add3A, %jit3A : i32
    %ne3A_14 = arith.constant 0 : i32
    %ne3A_15 = arith.cmpi ne, %rem3A, %ne3A_14 : i32
    %and3A = arith.andi %ne3A, %ne3A_15 : i1
    %sub3A = arith.constant 1 : i32
    %sub3A_16 = arith.subi %div3A, %sub3A : i32
    %select_n3A = arith.select %and3A, %sub3A_16, %div3A : i32
    %jit3A_17 = arith.constant 8 : i32
    %eq3A = arith.constant 0 : i32
    %eq3A_18 = arith.cmpi eq, %jit3A_17, %eq3A : i32
    %jit3A_19 = arith.constant 1 : i32
    %select_n3A_20 = arith.select %eq3A_18, %jit3A_19, %jit3A_17 : i32
    %rem3A_21 = arith.remsi %add3A, %select_n3A_20 : i32
    %ne3A_22 = arith.constant 0 : i32
    %ne3A_23 = arith.cmpi ne, %rem3A_21, %ne3A_22 : i32
    %lt3A = arith.constant 0 : i32
    %lt3A_24 = arith.cmpi slt, %rem3A_21, %lt3A : i32
    %lt3A_25 = arith.constant 0 : i32
    %lt3A_26 = arith.cmpi slt, %select_n3A_20, %lt3A_25 : i32
    %ne3A_27 = arith.xori %lt3A_24, %lt3A_26 : i1
    %and3A_28 = arith.andi %ne3A_27, %ne3A_23 : i1
    %add3A_29 = arith.addi %rem3A_21, %select_n3A_20 : i32
    %select_n3A_30 = arith.select %and3A_28, %add3A_29, %rem3A_21 : i32
    %mul3A_31 = arith.constant 1024 : i32
    %mul3A_32 = arith.muli %select_n3A_30, %mul3A_31 : i32
    "tpu.region"() ({
      %run_scoped3A = tpu.sem_alloc : memref<!tpu.dma_semaphore, #tpu.memory_space<semaphore_mem>>
      %dma_start3A_629 = tpu.memref_slice %arg3[%mul3A_32] : memref<8192xi32, #tpu.memory_space<hbm>> -> memref<1024xi32, #tpu.memory_space<hbm>>
      %dma_start3A_630 = tpu.memref_slice %arg3[%mul3A_32] : memref<8192xi32, #tpu.memory_space<hbm>> -> memref<1024xi32, #tpu.memory_space<hbm>>
      tpu.enqueue_dma source(%dma_start3A_630 : memref<1024xi32, #tpu.memory_space<hbm>>) target(%arg5 : memref<1024xi32, #tpu.memory_space<vmem>>) target_semaphore(%run_scoped3A : memref<!tpu.dma_semaphore, #tpu.memory_space<semaphore_mem>>)
      %dma_wait3A_631 = tpu.memref_slice %arg3[%mul3A_32] : memref<8192xi32, #tpu.memory_space<hbm>> -> memref<1024xi32, #tpu.memory_space<hbm>>
      %dma_wait3A_632 = tpu.memref_slice %arg3[%mul3A_32] : memref<8192xi32, #tpu.memory_space<hbm>> -> memref<1024xi32, #tpu.memory_space<hbm>>
      tpu.wait_dma2 semaphore(%run_scoped3A : memref<!tpu.dma_semaphore, #tpu.memory_space<semaphore_mem>>) src(%dma_wait3A_632 : memref<1024xi32, #tpu.memory_space<hbm>>) dst(%arg5 : memref<1024xi32, #tpu.memory_space<vmem>>)
      tpu.yield
    }) : () -> ()
    %mul3A_33 = arith.constant 8192 : i32
    %mul3A_34 = arith.muli %select_n3A, %mul3A_33 : i32
    %get3A = arith.constant 0 : index
    %get3A_35 = tpu.vector_load %arg5[%get3A] {strides = array<i32>} : memref<1024xi32, #tpu.memory_space<vmem>>, vector<16xi32>,
    %get3A_36 = vector.shape_cast %get3A_35 : vector<16xi32> to vector<16xi32>
    %add3A_37 = vector.broadcast %mul3A_34 : i32 to vector<16xi32>
    %add3A_38 = arith.addi %get3A_36, %add3A_37 : vector<16xi32>
    %swap3A = arith.constant 0 : index
    %swap3A_39 = tpu.vector_load %arg5[%swap3A] {strides = array<i32>} : memref<1024xi32, #tpu.memory_space<vmem>>, vector<16xi32>,
    %swap3A_40 = vector.shape_cast %swap3A_39 : vector<16xi32> to vector<16xi32>
    %swap3A_41 = vector.shape_cast %add3A_38 : vector<16xi32> to vector<16xi32>
    tpu.vector_store %arg5[%swap3A], %swap3A_41 {strides = array<i32>} : memref<1024xi32, #tpu.memory_space<vmem>>, vector<16xi32>,
    %get3A_42 = arith.constant 16 : index
    %get3A_43 = tpu.vector_load %arg5[%get3A_42] {strides = array<i32>} : memref<1024xi32, #tpu.memory_space<vmem>>, vector<16xi32>,
    %get3A_44 = vector.shape_cast %get3A_43 : vector<16xi32> to vector<16xi32>
    %add3A_45 = vector.broadcast %mul3A_34 : i32 to vector<16xi32>
    %add3A_46 = arith.addi %get3A_44, %add3A_45 : vector<16xi32>
    %swap3A_47 = arith.constant 16 : index
    %swap3A_48 = tpu.vector_load %arg5[%swap3A_47] {strides = array<i32>} : memref<1024xi32, #tpu.memory_space<vmem>>, vector<16xi32>,
    %swap3A_49 = vector.shape_cast %swap3A_48 : vector<16xi32> to vector<16xi32>
    %swap3A_50 = vector.shape_cast %add3A_46 : vector<16xi32> to vector<16xi32>
    tpu.vector_store %arg5[%swap3A_47], %swap3A_50 {strides = array<i32>} : memref<1024xi32, #tpu.memory_space<vmem>>, vector<16xi32>,
    %get3A_51 = arith.constant 32 : index
    %get3A_52 = tpu.vector_load %arg5[%get3A_51] {strides = array<i32>} : memref<1024xi32, #tpu.memory_space<vmem>>, vector<16xi32>,
    %get3A_53 = vector.shape_cast %get3A_52 : vector<16xi32> to vector<16xi32>
    %add3A_54 = vector.broadcast %mul3A_34 : i32 to vector<16xi32>
    %add3A_55 = arith.addi %get3A_53, %add3A_54 : vector<16xi32>
    %swap3A_56 = arith.constant 32 : index
    %swap3A_57 = tpu.vector_load %arg5[%swap3A_56] {strides = array<i32>} : memref<1024xi32, #tpu.memory_space<vmem>>, vector<16xi32>,
    %swap3A_58 = vector.shape_cast %swap3A_57 : vector<16xi32> to vector<16xi32>
    %swap3A_59 = vector.shape_cast %add3A_55 : vector<16xi32> to vector<16xi32>
    tpu.vector_store %arg5[%swap3A_56], %swap3A_59 {strides = array<i32>} : memref<1024xi32, #tpu.memory_space<vmem>>, vector<16xi32>,
    %get3A_60 = arith.constant 48 : index
    %get3A_61 = tpu.vector_load %arg5[%get3A_60] {strides = array<i32>} : memref<1024xi32, #tpu.memory_space<vmem>>, vector<16xi32>,
    %get3A_62 = vector.shape_cast %get3A_61 : vector<16xi32> to vector<16xi32>
    %add3A_63 = vector.broadcast %mul3A_34 : i32 to vector<16xi32>
    %add3A_64 = arith.addi %get3A_62, %add3A_63 : vector<16xi32>
    %swap3A_65 = arith.constant 48 : index
    %swap3A_66 = tpu.vector_load %arg5[%swap3A_65] {strides = array<i32>} : memref<1024xi32, #tpu.memory_space<vmem>>, vector<16xi32>,
    %swap3A_67 = vector.shape_cast %swap3A_66 : vector<16xi32> to vector<16xi32>
    %swap3A_68 = vector.shape_cast %add3A_64 : vector<16xi32> to vector<16xi32>
    tpu.vector_store %arg5[%swap3A_65], %swap3A_68 {strides = array<i32>} : memref<1024xi32, #tpu.memory_space<vmem>>, vector<16xi32>,
    %get3A_69 = arith.constant 64 : index
    %get3A_70 = tpu.vector_load %arg5[%get3A_69] {strides = array<i32>} : memref<1024xi32, #tpu.memory_space<vmem>>, vector<16xi32>,
    %get3A_71 = vector.shape_cast %get3A_70 : vector<16xi32> to vector<16xi32>
    %add3A_72 = vector.broadcast %mul3A_34 : i32 to vector<16xi32>
    %add3A_73 = arith.addi %get3A_71, %add3A_72 : vector<16xi32>
    %swap3A_74 = arith.constant 64 : index
    %swap3A_75 = tpu.vector_load %arg5[%swap3A_74] {strides = array<i32>} : memref<1024xi32, #tpu.memory_space<vmem>>, vector<16xi32>,
    %swap3A_76 = vector.shape_cast %swap3A_75 : vector<16xi32> to vector<16xi32>
    %swap3A_77 = vector.shape_cast %add3A_73 : vector<16xi32> to vector<16xi32>
    tpu.vector_store %arg5[%swap3A_74], %swap3A_77 {strides = array<i32>} : memref<1024xi32, #tpu.memory_space<vmem>>, vector<16xi32>,
    %get3A_78 = arith.constant 80 : index
    %get3A_79 = tpu.vector_load %arg5[%get3A_78] {strides = array<i32>} : memref<1024xi32, #tpu.memory_space<vmem>>, vector<16xi32>,
    %get3A_80 = vector.shape_cast %get3A_79 : vector<16xi32> to vector<16xi32>
    %add3A_81 = vector.broadcast %mul3A_34 : i32 to vector<16xi32>
    %add3A_82 = arith.addi %get3A_80, %add3A_81 : vector<16xi32>
    %swap3A_83 = arith.constant 80 : index
    %swap3A_84 = tpu.vector_load %arg5[%swap3A_83] {strides = array<i32>} : memref<1024xi32, #tpu.memory_space<vmem>>, vector<16xi32>,
    %swap3A_85 = vector.shape_cast %swap3A_84 : vector<16xi32> to vector<16xi32>
    %swap3A_86 = vector.shape_cast %add3A_82 : vector<16xi32> to vector<16xi32>
    tpu.vector_store %arg5[%swap3A_83], %swap3A_86 {strides = array<i32>} : memref<1024xi32, #tpu.memory_space<vmem>>, vector<16xi32>,
    %get3A_87 = arith.constant 96 : index
    %get3A_88 = tpu.vector_load %arg5[%get3A_87] {strides = array<i32>} : memref<1024xi32, #tpu.memory_space<vmem>>, vector<16xi32>,
    %get3A_89 = vector.shape_cast %get3A_88 : vector<16xi32> to vector<16xi32>
    %add3A_90 = vector.broadcast %mul3A_34 : i32 to vector<16xi32>
    %add3A_91 = arith.addi %get3A_89, %add3A_90 : vector<16xi32>
    %swap3A_92 = arith.constant 96 : index
    %swap3A_93 = tpu.vector_load %arg5[%swap3A_92] {strides = array<i32>} : memref<1024xi32, #tpu.memory_space<vmem>>, vector<16xi32>,
    %swap3A_94 = vector.shape_cast %swap3A_93 : vector<16xi32> to vector<16xi32>
    %swap3A_95 = vector.shape_cast %add3A_91 : vector<16xi32> to vector<16xi32>
    tpu.vector_store %arg5[%swap3A_92], %swap3A_95 {strides = array<i32>} : memref<1024xi32, #tpu.memory_space<vmem>>, vector<16xi32>,
    %get3A_96 = arith.constant 112 : index
    %get3A_97 = tpu.vector_load %arg5[%get3A_96] {strides = array<i32>} : memref<1024xi32, #tpu.memory_space<vmem>>, vector<16xi32>,
    %get3A_98 = vector.shape_cast %get3A_97 : vector<16xi32> to vector<16xi32>
    %add3A_99 = vector.broadcast %mul3A_34 : i32 to vector<16xi32>
    %add3A_100 = arith.addi %get3A_98, %add3A_99 : vector<16xi32>
    %swap3A_101 = arith.constant 112 : index
    %swap3A_102 = tpu.vector_load %arg5[%swap3A_101] {strides = array<i32>} : memref<1024xi32, #tpu.memory_space<vmem>>, vector<16xi32>,
    %swap3A_103 = vector.shape_cast %swap3A_102 : vector<16xi32> to vector<16xi32>
    %swap3A_104 = vector.shape_cast %add3A_100 : vector<16xi32> to vector<16xi32>
    tpu.vector_store %arg5[%swap3A_101], %swap3A_104 {strides = array<i32>} : memref<1024xi32, #tpu.memory_space<vmem>>, vector<16xi32>,
    %get3A_105 = arith.constant 128 : index
    %get3A_106 = tpu.vector_load %arg5[%get3A_105] {strides = array<i32>} : memref<1024xi32, #tpu.memory_space<vmem>>, vector<16xi32>,
    %get3A_107 = vector.shape_cast %get3A_106 : vector<16xi32> to vector<16xi32>
    %add3A_108 = vector.broadcast %mul3A_34 : i32 to vector<16xi32>
    %add3A_109 = arith.addi %get3A_107, %add3A_108 : vector<16xi32>
    %swap3A_110 = arith.constant 128 : index
    %swap3A_111 = tpu.vector_load %arg5[%swap3A_110] {strides = array<i32>} : memref<1024xi32, #tpu.memory_space<vmem>>, vector<16xi32>,
    %swap3A_112 = vector.shape_cast %swap3A_111 : vector<16xi32> to vector<16xi32>
    %swap3A_113 = vector.shape_cast %add3A_109 : vector<16xi32> to vector<16xi32>
    tpu.vector_store %arg5[%swap3A_110], %swap3A_113 {strides = array<i32>} : memref<1024xi32, #tpu.memory_space<vmem>>, vector<16xi32>,
    %get3A_114 = arith.constant 144 : index
    %get3A_115 = tpu.vector_load %arg5[%get3A_114] {strides = array<i32>} : memref<1024xi32, #tpu.memory_space<vmem>>, vector<16xi32>,
    %get3A_116 = vector.shape_cast %get3A_115 : vector<16xi32> to vector<16xi32>
    %add3A_117 = vector.broadcast %mul3A_34 : i32 to vector<16xi32>
    %add3A_118 = arith.addi %get3A_116, %add3A_117 : vector<16xi32>
    %swap3A_119 = arith.constant 144 : index
    %swap3A_120 = tpu.vector_load %arg5[%swap3A_119] {strides = array<i32>} : memref<1024xi32, #tpu.memory_space<vmem>>, vector<16xi32>,
    %swap3A_121 = vector.shape_cast %swap3A_120 : vector<16xi32> to vector<16xi32>
    %swap3A_122 = vector.shape_cast %add3A_118 : vector<16xi32> to vector<16xi32>
    tpu.vector_store %arg5[%swap3A_119], %swap3A_122 {strides = array<i32>} : memref<1024xi32, #tpu.memory_space<vmem>>, vector<16xi32>,
    %get3A_123 = arith.constant 160 : index
    %get3A_124 = tpu.vector_load %arg5[%get3A_123] {strides = array<i32>} : memref<1024xi32, #tpu.memory_space<vmem>>, vector<16xi32>,
    %get3A_125 = vector.shape_cast %get3A_124 : vector<16xi32> to vector<16xi32>
    %add3A_126 = vector.broadcast %mul3A_34 : i32 to vector<16xi32>
    %add3A_127 = arith.addi %get3A_125, %add3A_126 : vector<16xi32>
    %swap3A_128 = arith.constant 160 : index
    %swap3A_129 = tpu.vector_load %arg5[%swap3A_128] {strides = array<i32>} : memref<1024xi32, #tpu.memory_space<vmem>>, vector<16xi32>,
    %swap3A_130 = vector.shape_cast %swap3A_129 : vector<16xi32> to vector<16xi32>
    %swap3A_131 = vector.shape_cast %add3A_127 : vector<16xi32> to vector<16xi32>
    tpu.vector_store %arg5[%swap3A_128], %swap3A_131 {strides = array<i32>} : memref<1024xi32, #tpu.memory_space<vmem>>, vector<16xi32>,
    %get3A_132 = arith.constant 176 : index
    %get3A_133 = tpu.vector_load %arg5[%get3A_132] {strides = array<i32>} : memref<1024xi32, #tpu.memory_space<vmem>>, vector<16xi32>,
    %get3A_134 = vector.shape_cast %get3A_133 : vector<16xi32> to vector<16xi32>
    %add3A_135 = vector.broadcast %mul3A_34 : i32 to vector<16xi32>
    %add3A_136 = arith.addi %get3A_134, %add3A_135 : vector<16xi32>
    %swap3A_137 = arith.constant 176 : index
    %swap3A_138 = tpu.vector_load %arg5[%swap3A_137] {strides = array<i32>} : memref<1024xi32, #tpu.memory_space<vmem>>, vector<16xi32>,
    %swap3A_139 = vector.shape_cast %swap3A_138 : vector<16xi32> to vector<16xi32>
    %swap3A_140 = vector.shape_cast %add3A_136 : vector<16xi32> to vector<16xi32>
    tpu.vector_store %arg5[%swap3A_137], %swap3A_140 {strides = array<i32>} : memref<1024xi32, #tpu.memory_space<vmem>>, vector<16xi32>,
    %get3A_141 = arith.constant 192 : index
    %get3A_142 = tpu.vector_load %arg5[%get3A_141] {strides = array<i32>} : memref<1024xi32, #tpu.memory_space<vmem>>, vector<16xi32>,
    %get3A_143 = vector.shape_cast %get3A_142 : vector<16xi32> to vector<16xi32>
    %add3A_144 = vector.broadcast %mul3A_34 : i32 to vector<16xi32>
    %add3A_145 = arith.addi %get3A_143, %add3A_144 : vector<16xi32>
    %swap3A_146 = arith.constant 192 : index
    %swap3A_147 = tpu.vector_load %arg5[%swap3A_146] {strides = array<i32>} : memref<1024xi32, #tpu.memory_space<vmem>>, vector<16xi32>,
    %swap3A_148 = vector.shape_cast %swap3A_147 : vector<16xi32> to vector<16xi32>
    %swap3A_149 = vector.shape_cast %add3A_145 : vector<16xi32> to vector<16xi32>
    tpu.vector_store %arg5[%swap3A_146], %swap3A_149 {strides = array<i32>} : memref<1024xi32, #tpu.memory_space<vmem>>, vector<16xi32>,
    %get3A_150 = arith.constant 208 : index
    %get3A_151 = tpu.vector_load %arg5[%get3A_150] {strides = array<i32>} : memref<1024xi32, #tpu.memory_space<vmem>>, vector<16xi32>,
    %get3A_152 = vector.shape_cast %get3A_151 : vector<16xi32> to vector<16xi32>
    %add3A_153 = vector.broadcast %mul3A_34 : i32 to vector<16xi32>
    %add3A_154 = arith.addi %get3A_152, %add3A_153 : vector<16xi32>
    %swap3A_155 = arith.constant 208 : index
    %swap3A_156 = tpu.vector_load %arg5[%swap3A_155] {strides = array<i32>} : memref<1024xi32, #tpu.memory_space<vmem>>, vector<16xi32>,
    %swap3A_157 = vector.shape_cast %swap3A_156 : vector<16xi32> to vector<16xi32>
    %swap3A_158 = vector.shape_cast %add3A_154 : vector<16xi32> to vector<16xi32>
    tpu.vector_store %arg5[%swap3A_155], %swap3A_158 {strides = array<i32>} : memref<1024xi32, #tpu.memory_space<vmem>>, vector<16xi32>,
    %get3A_159 = arith.constant 224 : index
    %get3A_160 = tpu.vector_load %arg5[%get3A_159] {strides = array<i32>} : memref<1024xi32, #tpu.memory_space<vmem>>, vector<16xi32>,
    %get3A_161 = vector.shape_cast %get3A_160 : vector<16xi32> to vector<16xi32>
    %add3A_162 = vector.broadcast %mul3A_34 : i32 to vector<16xi32>
    %add3A_163 = arith.addi %get3A_161, %add3A_162 : vector<16xi32>
    %swap3A_164 = arith.constant 224 : index
    %swap3A_165 = tpu.vector_load %arg5[%swap3A_164] {strides = array<i32>} : memref<1024xi32, #tpu.memory_space<vmem>>, vector<16xi32>,
    %swap3A_166 = vector.shape_cast %swap3A_165 : vector<16xi32> to vector<16xi32>
    %swap3A_167 = vector.shape_cast %add3A_163 : vector<16xi32> to vector<16xi32>
    tpu.vector_store %arg5[%swap3A_164], %swap3A_167 {strides = array<i32>} : memref<1024xi32, #tpu.memory_space<vmem>>, vector<16xi32>,
    %get3A_168 = arith.constant 240 : index
    %get3A_169 = tpu.vector_load %arg5[%get3A_168] {strides = array<i32>} : memref<1024xi32, #tpu.memory_space<vmem>>, vector<16xi32>,
    %get3A_170 = vector.shape_cast %get3A_169 : vector<16xi32> to vector<16xi32>
    %add3A_171 = vector.broadcast %mul3A_34 : i32 to vector<16xi32>
    %add3A_172 = arith.addi %get3A_170, %add3A_171 : vector<16xi32>
    %swap3A_173 = arith.constant 240 : index
    %swap3A_174 = tpu.vector_load %arg5[%swap3A_173] {strides = array<i32>} : memref<1024xi32, #tpu.memory_space<vmem>>, vector<16xi32>,
    %swap3A_175 = vector.shape_cast %swap3A_174 : vector<16xi32> to vector<16xi32>
    %swap3A_176 = vector.shape_cast %add3A_172 : vector<16xi32> to vector<16xi32>
    tpu.vector_store %arg5[%swap3A_173], %swap3A_176 {strides = array<i32>} : memref<1024xi32, #tpu.memory_space<vmem>>, vector<16xi32>,
    %get3A_177 = arith.constant 256 : index
    %get3A_178 = tpu.vector_load %arg5[%get3A_177] {strides = array<i32>} : memref<1024xi32, #tpu.memory_space<vmem>>, vector<16xi32>,
    %get3A_179 = vector.shape_cast %get3A_178 : vector<16xi32> to vector<16xi32>
    %add3A_180 = vector.broadcast %mul3A_34 : i32 to vector<16xi32>
    %add3A_181 = arith.addi %get3A_179, %add3A_180 : vector<16xi32>
    %swap3A_182 = arith.constant 256 : index
    %swap3A_183 = tpu.vector_load %arg5[%swap3A_182] {strides = array<i32>} : memref<1024xi32, #tpu.memory_space<vmem>>, vector<16xi32>,
    %swap3A_184 = vector.shape_cast %swap3A_183 : vector<16xi32> to vector<16xi32>
    %swap3A_185 = vector.shape_cast %add3A_181 : vector<16xi32> to vector<16xi32>
    tpu.vector_store %arg5[%swap3A_182], %swap3A_185 {strides = array<i32>} : memref<1024xi32, #tpu.memory_space<vmem>>, vector<16xi32>,
    %get3A_186 = arith.constant 272 : index
    %get3A_187 = tpu.vector_load %arg5[%get3A_186] {strides = array<i32>} : memref<1024xi32, #tpu.memory_space<vmem>>, vector<16xi32>,
    %get3A_188 = vector.shape_cast %get3A_187 : vector<16xi32> to vector<16xi32>
    %add3A_189 = vector.broadcast %mul3A_34 : i32 to vector<16xi32>
    %add3A_190 = arith.addi %get3A_188, %add3A_189 : vector<16xi32>
    %swap3A_191 = arith.constant 272 : index
    %swap3A_192 = tpu.vector_load %arg5[%swap3A_191] {strides = array<i32>} : memref<1024xi32, #tpu.memory_space<vmem>>, vector<16xi32>,
    %swap3A_193 = vector.shape_cast %swap3A_192 : vector<16xi32> to vector<16xi32>
    %swap3A_194 = vector.shape_cast %add3A_190 : vector<16xi32> to vector<16xi32>
    tpu.vector_store %arg5[%swap3A_191], %swap3A_194 {strides = array<i32>} : memref<1024xi32, #tpu.memory_space<vmem>>, vector<16xi32>,
    %get3A_195 = arith.constant 288 : index
    %get3A_196 = tpu.vector_load %arg5[%get3A_195] {strides = array<i32>} : memref<1024xi32, #tpu.memory_space<vmem>>, vector<16xi32>,
    %get3A_197 = vector.shape_cast %get3A_196 : vector<16xi32> to vector<16xi32>
    %add3A_198 = vector.broadcast %mul3A_34 : i32 to vector<16xi32>
    %add3A_199 = arith.addi %get3A_197, %add3A_198 : vector<16xi32>
    %swap3A_200 = arith.constant 288 : index
    %swap3A_201 = tpu.vector_load %arg5[%swap3A_200] {strides = array<i32>} : memref<1024xi32, #tpu.memory_space<vmem>>, vector<16xi32>,
    %swap3A_202 = vector.shape_cast %swap3A_201 : vector<16xi32> to vector<16xi32>
    %swap3A_203 = vector.shape_cast %add3A_199 : vector<16xi32> to vector<16xi32>
    tpu.vector_store %arg5[%swap3A_200], %swap3A_203 {strides = array<i32>} : memref<1024xi32, #tpu.memory_space<vmem>>, vector<16xi32>,
    %get3A_204 = arith.constant 304 : index
    %get3A_205 = tpu.vector_load %arg5[%get3A_204] {strides = array<i32>} : memref<1024xi32, #tpu.memory_space<vmem>>, vector<16xi32>,
    %get3A_206 = vector.shape_cast %get3A_205 : vector<16xi32> to vector<16xi32>
    %add3A_207 = vector.broadcast %mul3A_34 : i32 to vector<16xi32>
    %add3A_208 = arith.addi %get3A_206, %add3A_207 : vector<16xi32>
    %swap3A_209 = arith.constant 304 : index
    %swap3A_210 = tpu.vector_load %arg5[%swap3A_209] {strides = array<i32>} : memref<1024xi32, #tpu.memory_space<vmem>>, vector<16xi32>,
    %swap3A_211 = vector.shape_cast %swap3A_210 : vector<16xi32> to vector<16xi32>
    %swap3A_212 = vector.shape_cast %add3A_208 : vector<16xi32> to vector<16xi32>
    tpu.vector_store %arg5[%swap3A_209], %swap3A_212 {strides = array<i32>} : memref<1024xi32, #tpu.memory_space<vmem>>, vector<16xi32>,
    %get3A_213 = arith.constant 320 : index
    %get3A_214 = tpu.vector_load %arg5[%get3A_213] {strides = array<i32>} : memref<1024xi32, #tpu.memory_space<vmem>>, vector<16xi32>,
    %get3A_215 = vector.shape_cast %get3A_214 : vector<16xi32> to vector<16xi32>
    %add3A_216 = vector.broadcast %mul3A_34 : i32 to vector<16xi32>
    %add3A_217 = arith.addi %get3A_215, %add3A_216 : vector<16xi32>
    %swap3A_218 = arith.constant 320 : index
    %swap3A_219 = tpu.vector_load %arg5[%swap3A_218] {strides = array<i32>} : memref<1024xi32, #tpu.memory_space<vmem>>, vector<16xi32>,
    %swap3A_220 = vector.shape_cast %swap3A_219 : vector<16xi32> to vector<16xi32>
    %swap3A_221 = vector.shape_cast %add3A_217 : vector<16xi32> to vector<16xi32>
    tpu.vector_store %arg5[%swap3A_218], %swap3A_221 {strides = array<i32>} : memref<1024xi32, #tpu.memory_space<vmem>>, vector<16xi32>,
    %get3A_222 = arith.constant 336 : index
    %get3A_223 = tpu.vector_load %arg5[%get3A_222] {strides = array<i32>} : memref<1024xi32, #tpu.memory_space<vmem>>, vector<16xi32>,
    %get3A_224 = vector.shape_cast %get3A_223 : vector<16xi32> to vector<16xi32>
    %add3A_225 = vector.broadcast %mul3A_34 : i32 to vector<16xi32>
    %add3A_226 = arith.addi %get3A_224, %add3A_225 : vector<16xi32>
    %swap3A_227 = arith.constant 336 : index
    %swap3A_228 = tpu.vector_load %arg5[%swap3A_227] {strides = array<i32>} : memref<1024xi32, #tpu.memory_space<vmem>>, vector<16xi32>,
    %swap3A_229 = vector.shape_cast %swap3A_228 : vector<16xi32> to vector<16xi32>
    %swap3A_230 = vector.shape_cast %add3A_226 : vector<16xi32> to vector<16xi32>
    tpu.vector_store %arg5[%swap3A_227], %swap3A_230 {strides = array<i32>} : memref<1024xi32, #tpu.memory_space<vmem>>, vector<16xi32>,
    %get3A_231 = arith.constant 352 : index
    %get3A_232 = tpu.vector_load %arg5[%get3A_231] {strides = array<i32>} : memref<1024xi32, #tpu.memory_space<vmem>>, vector<16xi32>,
    %get3A_233 = vector.shape_cast %get3A_232 : vector<16xi32> to vector<16xi32>
    %add3A_234 = vector.broadcast %mul3A_34 : i32 to vector<16xi32>
    %add3A_235 = arith.addi %get3A_233, %add3A_234 : vector<16xi32>
    %swap3A_236 = arith.constant 352 : index
    %swap3A_237 = tpu.vector_load %arg5[%swap3A_236] {strides = array<i32>} : memref<1024xi32, #tpu.memory_space<vmem>>, vector<16xi32>,
    %swap3A_238 = vector.shape_cast %swap3A_237 : vector<16xi32> to vector<16xi32>
    %swap3A_239 = vector.shape_cast %add3A_235 : vector<16xi32> to vector<16xi32>
    tpu.vector_store %arg5[%swap3A_236], %swap3A_239 {strides = array<i32>} : memref<1024xi32, #tpu.memory_space<vmem>>, vector<16xi32>,
    %get3A_240 = arith.constant 368 : index
    %get3A_241 = tpu.vector_load %arg5[%get3A_240] {strides = array<i32>} : memref<1024xi32, #tpu.memory_space<vmem>>, vector<16xi32>,
    %get3A_242 = vector.shape_cast %get3A_241 : vector<16xi32> to vector<16xi32>
    %add3A_243 = vector.broadcast %mul3A_34 : i32 to vector<16xi32>
    %add3A_244 = arith.addi %get3A_242, %add3A_243 : vector<16xi32>
    %swap3A_245 = arith.constant 368 : index
    %swap3A_246 = tpu.vector_load %arg5[%swap3A_245] {strides = array<i32>} : memref<1024xi32, #tpu.memory_space<vmem>>, vector<16xi32>,
    %swap3A_247 = vector.shape_cast %swap3A_246 : vector<16xi32> to vector<16xi32>
    %swap3A_248 = vector.shape_cast %add3A_244 : vector<16xi32> to vector<16xi32>
    tpu.vector_store %arg5[%swap3A_245], %swap3A_248 {strides = array<i32>} : memref<1024xi32, #tpu.memory_space<vmem>>, vector<16xi32>,
    %get3A_249 = arith.constant 384 : index
    %get3A_250 = tpu.vector_load %arg5[%get3A_249] {strides = array<i32>} : memref<1024xi32, #tpu.memory_space<vmem>>, vector<16xi32>,
    %get3A_251 = vector.shape_cast %get3A_250 : vector<16xi32> to vector<16xi32>
    %add3A_252 = vector.broadcast %mul3A_34 : i32 to vector<16xi32>
    %add3A_253 = arith.addi %get3A_251, %add3A_252 : vector<16xi32>
    %swap3A_254 = arith.constant 384 : index
    %swap3A_255 = tpu.vector_load %arg5[%swap3A_254] {strides = array<i32>} : memref<1024xi32, #tpu.memory_space<vmem>>, vector<16xi32>,
    %swap3A_256 = vector.shape_cast %swap3A_255 : vector<16xi32> to vector<16xi32>
    %swap3A_257 = vector.shape_cast %add3A_253 : vector<16xi32> to vector<16xi32>
    tpu.vector_store %arg5[%swap3A_254], %swap3A_257 {strides = array<i32>} : memref<1024xi32, #tpu.memory_space<vmem>>, vector<16xi32>,
    %get3A_258 = arith.constant 400 : index
    %get3A_259 = tpu.vector_load %arg5[%get3A_258] {strides = array<i32>} : memref<1024xi32, #tpu.memory_space<vmem>>, vector<16xi32>,
    %get3A_260 = vector.shape_cast %get3A_259 : vector<16xi32> to vector<16xi32>
    %add3A_261 = vector.broadcast %mul3A_34 : i32 to vector<16xi32>
    %add3A_262 = arith.addi %get3A_260, %add3A_261 : vector<16xi32>
    %swap3A_263 = arith.constant 400 : index
    %swap3A_264 = tpu.vector_load %arg5[%swap3A_263] {strides = array<i32>} : memref<1024xi32, #tpu.memory_space<vmem>>, vector<16xi32>,
    %swap3A_265 = vector.shape_cast %swap3A_264 : vector<16xi32> to vector<16xi32>
    %swap3A_266 = vector.shape_cast %add3A_262 : vector<16xi32> to vector<16xi32>
    tpu.vector_store %arg5[%swap3A_263], %swap3A_266 {strides = array<i32>} : memref<1024xi32, #tpu.memory_space<vmem>>, vector<16xi32>,
    %get3A_267 = arith.constant 416 : index
    %get3A_268 = tpu.vector_load %arg5[%get3A_267] {strides = array<i32>} : memref<1024xi32, #tpu.memory_space<vmem>>, vector<16xi32>,
    %get3A_269 = vector.shape_cast %get3A_268 : vector<16xi32> to vector<16xi32>
    %add3A_270 = vector.broadcast %mul3A_34 : i32 to vector<16xi32>
    %add3A_271 = arith.addi %get3A_269, %add3A_270 : vector<16xi32>
    %swap3A_272 = arith.constant 416 : index
    %swap3A_273 = tpu.vector_load %arg5[%swap3A_272] {strides = array<i32>} : memref<1024xi32, #tpu.memory_space<vmem>>, vector<16xi32>,
    %swap3A_274 = vector.shape_cast %swap3A_273 : vector<16xi32> to vector<16xi32>
    %swap3A_275 = vector.shape_cast %add3A_271 : vector<16xi32> to vector<16xi32>
    tpu.vector_store %arg5[%swap3A_272], %swap3A_275 {strides = array<i32>} : memref<1024xi32, #tpu.memory_space<vmem>>, vector<16xi32>,
    %get3A_276 = arith.constant 432 : index
    %get3A_277 = tpu.vector_load %arg5[%get3A_276] {strides = array<i32>} : memref<1024xi32, #tpu.memory_space<vmem>>, vector<16xi32>,
    %get3A_278 = vector.shape_cast %get3A_277 : vector<16xi32> to vector<16xi32>
    %add3A_279 = vector.broadcast %mul3A_34 : i32 to vector<16xi32>
    %add3A_280 = arith.addi %get3A_278, %add3A_279 : vector<16xi32>
    %swap3A_281 = arith.constant 432 : index
    %swap3A_282 = tpu.vector_load %arg5[%swap3A_281] {strides = array<i32>} : memref<1024xi32, #tpu.memory_space<vmem>>, vector<16xi32>,
    %swap3A_283 = vector.shape_cast %swap3A_282 : vector<16xi32> to vector<16xi32>
    %swap3A_284 = vector.shape_cast %add3A_280 : vector<16xi32> to vector<16xi32>
    tpu.vector_store %arg5[%swap3A_281], %swap3A_284 {strides = array<i32>} : memref<1024xi32, #tpu.memory_space<vmem>>, vector<16xi32>,
    %get3A_285 = arith.constant 448 : index
    %get3A_286 = tpu.vector_load %arg5[%get3A_285] {strides = array<i32>} : memref<1024xi32, #tpu.memory_space<vmem>>, vector<16xi32>,
    %get3A_287 = vector.shape_cast %get3A_286 : vector<16xi32> to vector<16xi32>
    %add3A_288 = vector.broadcast %mul3A_34 : i32 to vector<16xi32>
    %add3A_289 = arith.addi %get3A_287, %add3A_288 : vector<16xi32>
    %swap3A_290 = arith.constant 448 : index
    %swap3A_291 = tpu.vector_load %arg5[%swap3A_290] {strides = array<i32>} : memref<1024xi32, #tpu.memory_space<vmem>>, vector<16xi32>,
    %swap3A_292 = vector.shape_cast %swap3A_291 : vector<16xi32> to vector<16xi32>
    %swap3A_293 = vector.shape_cast %add3A_289 : vector<16xi32> to vector<16xi32>
    tpu.vector_store %arg5[%swap3A_290], %swap3A_293 {strides = array<i32>} : memref<1024xi32, #tpu.memory_space<vmem>>, vector<16xi32>,
    %get3A_294 = arith.constant 464 : index
    %get3A_295 = tpu.vector_load %arg5[%get3A_294] {strides = array<i32>} : memref<1024xi32, #tpu.memory_space<vmem>>, vector<16xi32>,
    %get3A_296 = vector.shape_cast %get3A_295 : vector<16xi32> to vector<16xi32>
    %add3A_297 = vector.broadcast %mul3A_34 : i32 to vector<16xi32>
    %add3A_298 = arith.addi %get3A_296, %add3A_297 : vector<16xi32>
    %swap3A_299 = arith.constant 464 : index
    %swap3A_300 = tpu.vector_load %arg5[%swap3A_299] {strides = array<i32>} : memref<1024xi32, #tpu.memory_space<vmem>>, vector<16xi32>,
    %swap3A_301 = vector.shape_cast %swap3A_300 : vector<16xi32> to vector<16xi32>
    %swap3A_302 = vector.shape_cast %add3A_298 : vector<16xi32> to vector<16xi32>
    tpu.vector_store %arg5[%swap3A_299], %swap3A_302 {strides = array<i32>} : memref<1024xi32, #tpu.memory_space<vmem>>, vector<16xi32>,
    %get3A_303 = arith.constant 480 : index
    %get3A_304 = tpu.vector_load %arg5[%get3A_303] {strides = array<i32>} : memref<1024xi32, #tpu.memory_space<vmem>>, vector<16xi32>,
    %get3A_305 = vector.shape_cast %get3A_304 : vector<16xi32> to vector<16xi32>
    %add3A_306 = vector.broadcast %mul3A_34 : i32 to vector<16xi32>
    %add3A_307 = arith.addi %get3A_305, %add3A_306 : vector<16xi32>
    %swap3A_308 = arith.constant 480 : index
    %swap3A_309 = tpu.vector_load %arg5[%swap3A_308] {strides = array<i32>} : memref<1024xi32, #tpu.memory_space<vmem>>, vector<16xi32>,
    %swap3A_310 = vector.shape_cast %swap3A_309 : vector<16xi32> to vector<16xi32>
    %swap3A_311 = vector.shape_cast %add3A_307 : vector<16xi32> to vector<16xi32>
    tpu.vector_store %arg5[%swap3A_308], %swap3A_311 {strides = array<i32>} : memref<1024xi32, #tpu.memory_space<vmem>>, vector<16xi32>,
    %get3A_312 = arith.constant 496 : index
    %get3A_313 = tpu.vector_load %arg5[%get3A_312] {strides = array<i32>} : memref<1024xi32, #tpu.memory_space<vmem>>, vector<16xi32>,
    %get3A_314 = vector.shape_cast %get3A_313 : vector<16xi32> to vector<16xi32>
    %add3A_315 = vector.broadcast %mul3A_34 : i32 to vector<16xi32>
    %add3A_316 = arith.addi %get3A_314, %add3A_315 : vector<16xi32>
    %swap3A_317 = arith.constant 496 : index
    %swap3A_318 = tpu.vector_load %arg5[%swap3A_317] {strides = array<i32>} : memref<1024xi32, #tpu.memory_space<vmem>>, vector<16xi32>,
    %swap3A_319 = vector.shape_cast %swap3A_318 : vector<16xi32> to vector<16xi32>
    %swap3A_320 = vector.shape_cast %add3A_316 : vector<16xi32> to vector<16xi32>
    tpu.vector_store %arg5[%swap3A_317], %swap3A_320 {strides = array<i32>} : memref<1024xi32, #tpu.memory_space<vmem>>, vector<16xi32>,
    %get3A_321 = arith.constant 512 : index
    %get3A_322 = tpu.vector_load %arg5[%get3A_321] {strides = array<i32>} : memref<1024xi32, #tpu.memory_space<vmem>>, vector<16xi32>,
    %get3A_323 = vector.shape_cast %get3A_322 : vector<16xi32> to vector<16xi32>
    %add3A_324 = vector.broadcast %mul3A_34 : i32 to vector<16xi32>
    %add3A_325 = arith.addi %get3A_323, %add3A_324 : vector<16xi32>
    %swap3A_326 = arith.constant 512 : index
    %swap3A_327 = tpu.vector_load %arg5[%swap3A_326] {strides = array<i32>} : memref<1024xi32, #tpu.memory_space<vmem>>, vector<16xi32>,
    %swap3A_328 = vector.shape_cast %swap3A_327 : vector<16xi32> to vector<16xi32>
    %swap3A_329 = vector.shape_cast %add3A_325 : vector<16xi32> to vector<16xi32>
    tpu.vector_store %arg5[%swap3A_326], %swap3A_329 {strides = array<i32>} : memref<1024xi32, #tpu.memory_space<vmem>>, vector<16xi32>,
    %get3A_330 = arith.constant 528 : index
    %get3A_331 = tpu.vector_load %arg5[%get3A_330] {strides = array<i32>} : memref<1024xi32, #tpu.memory_space<vmem>>, vector<16xi32>,
    %get3A_332 = vector.shape_cast %get3A_331 : vector<16xi32> to vector<16xi32>
    %add3A_333 = vector.broadcast %mul3A_34 : i32 to vector<16xi32>
    %add3A_334 = arith.addi %get3A_332, %add3A_333 : vector<16xi32>
    %swap3A_335 = arith.constant 528 : index
    %swap3A_336 = tpu.vector_load %arg5[%swap3A_335] {strides = array<i32>} : memref<1024xi32, #tpu.memory_space<vmem>>, vector<16xi32>,
    %swap3A_337 = vector.shape_cast %swap3A_336 : vector<16xi32> to vector<16xi32>
    %swap3A_338 = vector.shape_cast %add3A_334 : vector<16xi32> to vector<16xi32>
    tpu.vector_store %arg5[%swap3A_335], %swap3A_338 {strides = array<i32>} : memref<1024xi32, #tpu.memory_space<vmem>>, vector<16xi32>,
    %get3A_339 = arith.constant 544 : index
    %get3A_340 = tpu.vector_load %arg5[%get3A_339] {strides = array<i32>} : memref<1024xi32, #tpu.memory_space<vmem>>, vector<16xi32>,
    %get3A_341 = vector.shape_cast %get3A_340 : vector<16xi32> to vector<16xi32>
    %add3A_342 = vector.broadcast %mul3A_34 : i32 to vector<16xi32>
    %add3A_343 = arith.addi %get3A_341, %add3A_342 : vector<16xi32>
    %swap3A_344 = arith.constant 544 : index
    %swap3A_345 = tpu.vector_load %arg5[%swap3A_344] {strides = array<i32>} : memref<1024xi32, #tpu.memory_space<vmem>>, vector<16xi32>,
    %swap3A_346 = vector.shape_cast %swap3A_345 : vector<16xi32> to vector<16xi32>
    %swap3A_347 = vector.shape_cast %add3A_343 : vector<16xi32> to vector<16xi32>
    tpu.vector_store %arg5[%swap3A_344], %swap3A_347 {strides = array<i32>} : memref<1024xi32, #tpu.memory_space<vmem>>, vector<16xi32>,
    %get3A_348 = arith.constant 560 : index
    %get3A_349 = tpu.vector_load %arg5[%get3A_348] {strides = array<i32>} : memref<1024xi32, #tpu.memory_space<vmem>>, vector<16xi32>,
    %get3A_350 = vector.shape_cast %get3A_349 : vector<16xi32> to vector<16xi32>
    %add3A_351 = vector.broadcast %mul3A_34 : i32 to vector<16xi32>
    %add3A_352 = arith.addi %get3A_350, %add3A_351 : vector<16xi32>
    %swap3A_353 = arith.constant 560 : index
    %swap3A_354 = tpu.vector_load %arg5[%swap3A_353] {strides = array<i32>} : memref<1024xi32, #tpu.memory_space<vmem>>, vector<16xi32>,
    %swap3A_355 = vector.shape_cast %swap3A_354 : vector<16xi32> to vector<16xi32>
    %swap3A_356 = vector.shape_cast %add3A_352 : vector<16xi32> to vector<16xi32>
    tpu.vector_store %arg5[%swap3A_353], %swap3A_356 {strides = array<i32>} : memref<1024xi32, #tpu.memory_space<vmem>>, vector<16xi32>,
    %get3A_357 = arith.constant 576 : index
    %get3A_358 = tpu.vector_load %arg5[%get3A_357] {strides = array<i32>} : memref<1024xi32, #tpu.memory_space<vmem>>, vector<16xi32>,
    %get3A_359 = vector.shape_cast %get3A_358 : vector<16xi32> to vector<16xi32>
    %add3A_360 = vector.broadcast %mul3A_34 : i32 to vector<16xi32>
    %add3A_361 = arith.addi %get3A_359, %add3A_360 : vector<16xi32>
    %swap3A_362 = arith.constant 576 : index
    %swap3A_363 = tpu.vector_load %arg5[%swap3A_362] {strides = array<i32>} : memref<1024xi32, #tpu.memory_space<vmem>>, vector<16xi32>,
    %swap3A_364 = vector.shape_cast %swap3A_363 : vector<16xi32> to vector<16xi32>
    %swap3A_365 = vector.shape_cast %add3A_361 : vector<16xi32> to vector<16xi32>
    tpu.vector_store %arg5[%swap3A_362], %swap3A_365 {strides = array<i32>} : memref<1024xi32, #tpu.memory_space<vmem>>, vector<16xi32>,
    %get3A_366 = arith.constant 592 : index
    %get3A_367 = tpu.vector_load %arg5[%get3A_366] {strides = array<i32>} : memref<1024xi32, #tpu.memory_space<vmem>>, vector<16xi32>,
    %get3A_368 = vector.shape_cast %get3A_367 : vector<16xi32> to vector<16xi32>
    %add3A_369 = vector.broadcast %mul3A_34 : i32 to vector<16xi32>
    %add3A_370 = arith.addi %get3A_368, %add3A_369 : vector<16xi32>
    %swap3A_371 = arith.constant 592 : index
    %swap3A_372 = tpu.vector_load %arg5[%swap3A_371] {strides = array<i32>} : memref<1024xi32, #tpu.memory_space<vmem>>, vector<16xi32>,
    %swap3A_373 = vector.shape_cast %swap3A_372 : vector<16xi32> to vector<16xi32>
    %swap3A_374 = vector.shape_cast %add3A_370 : vector<16xi32> to vector<16xi32>
    tpu.vector_store %arg5[%swap3A_371], %swap3A_374 {strides = array<i32>} : memref<1024xi32, #tpu.memory_space<vmem>>, vector<16xi32>,
    %get3A_375 = arith.constant 608 : index
    %get3A_376 = tpu.vector_load %arg5[%get3A_375] {strides = array<i32>} : memref<1024xi32, #tpu.memory_space<vmem>>, vector<16xi32>,
    %get3A_377 = vector.shape_cast %get3A_376 : vector<16xi32> to vector<16xi32>
    %add3A_378 = vector.broadcast %mul3A_34 : i32 to vector<16xi32>
    %add3A_379 = arith.addi %get3A_377, %add3A_378 : vector<16xi32>
    %swap3A_380 = arith.constant 608 : index
    %swap3A_381 = tpu.vector_load %arg5[%swap3A_380] {strides = array<i32>} : memref<1024xi32, #tpu.memory_space<vmem>>, vector<16xi32>,
    %swap3A_382 = vector.shape_cast %swap3A_381 : vector<16xi32> to vector<16xi32>
    %swap3A_383 = vector.shape_cast %add3A_379 : vector<16xi32> to vector<16xi32>
    tpu.vector_store %arg5[%swap3A_380], %swap3A_383 {strides = array<i32>} : memref<1024xi32, #tpu.memory_space<vmem>>, vector<16xi32>,
    %get3A_384 = arith.constant 624 : index
    %get3A_385 = tpu.vector_load %arg5[%get3A_384] {strides = array<i32>} : memref<1024xi32, #tpu.memory_space<vmem>>, vector<16xi32>,
    %get3A_386 = vector.shape_cast %get3A_385 : vector<16xi32> to vector<16xi32>
    %add3A_387 = vector.broadcast %mul3A_34 : i32 to vector<16xi32>
    %add3A_388 = arith.addi %get3A_386, %add3A_387 : vector<16xi32>
    %swap3A_389 = arith.constant 624 : index
    %swap3A_390 = tpu.vector_load %arg5[%swap3A_389] {strides = array<i32>} : memref<1024xi32, #tpu.memory_space<vmem>>, vector<16xi32>,
    %swap3A_391 = vector.shape_cast %swap3A_390 : vector<16xi32> to vector<16xi32>
    %swap3A_392 = vector.shape_cast %add3A_388 : vector<16xi32> to vector<16xi32>
    tpu.vector_store %arg5[%swap3A_389], %swap3A_392 {strides = array<i32>} : memref<1024xi32, #tpu.memory_space<vmem>>, vector<16xi32>,
    %get3A_393 = arith.constant 640 : index
    %get3A_394 = tpu.vector_load %arg5[%get3A_393] {strides = array<i32>} : memref<1024xi32, #tpu.memory_space<vmem>>, vector<16xi32>,
    %get3A_395 = vector.shape_cast %get3A_394 : vector<16xi32> to vector<16xi32>
    %add3A_396 = vector.broadcast %mul3A_34 : i32 to vector<16xi32>
    %add3A_397 = arith.addi %get3A_395, %add3A_396 : vector<16xi32>
    %swap3A_398 = arith.constant 640 : index
    %swap3A_399 = tpu.vector_load %arg5[%swap3A_398] {strides = array<i32>} : memref<1024xi32, #tpu.memory_space<vmem>>, vector<16xi32>,
    %swap3A_400 = vector.shape_cast %swap3A_399 : vector<16xi32> to vector<16xi32>
    %swap3A_401 = vector.shape_cast %add3A_397 : vector<16xi32> to vector<16xi32>
    tpu.vector_store %arg5[%swap3A_398], %swap3A_401 {strides = array<i32>} : memref<1024xi32, #tpu.memory_space<vmem>>, vector<16xi32>,
    %get3A_402 = arith.constant 656 : index
    %get3A_403 = tpu.vector_load %arg5[%get3A_402] {strides = array<i32>} : memref<1024xi32, #tpu.memory_space<vmem>>, vector<16xi32>,
    %get3A_404 = vector.shape_cast %get3A_403 : vector<16xi32> to vector<16xi32>
    %add3A_405 = vector.broadcast %mul3A_34 : i32 to vector<16xi32>
    %add3A_406 = arith.addi %get3A_404, %add3A_405 : vector<16xi32>
    %swap3A_407 = arith.constant 656 : index
    %swap3A_408 = tpu.vector_load %arg5[%swap3A_407] {strides = array<i32>} : memref<1024xi32, #tpu.memory_space<vmem>>, vector<16xi32>,
    %swap3A_409 = vector.shape_cast %swap3A_408 : vector<16xi32> to vector<16xi32>
    %swap3A_410 = vector.shape_cast %add3A_406 : vector<16xi32> to vector<16xi32>
    tpu.vector_store %arg5[%swap3A_407], %swap3A_410 {strides = array<i32>} : memref<1024xi32, #tpu.memory_space<vmem>>, vector<16xi32>,
    %get3A_411 = arith.constant 672 : index
    %get3A_412 = tpu.vector_load %arg5[%get3A_411] {strides = array<i32>} : memref<1024xi32, #tpu.memory_space<vmem>>, vector<16xi32>,
    %get3A_413 = vector.shape_cast %get3A_412 : vector<16xi32> to vector<16xi32>
    %add3A_414 = vector.broadcast %mul3A_34 : i32 to vector<16xi32>
    %add3A_415 = arith.addi %get3A_413, %add3A_414 : vector<16xi32>
    %swap3A_416 = arith.constant 672 : index
    %swap3A_417 = tpu.vector_load %arg5[%swap3A_416] {strides = array<i32>} : memref<1024xi32, #tpu.memory_space<vmem>>, vector<16xi32>,
    %swap3A_418 = vector.shape_cast %swap3A_417 : vector<16xi32> to vector<16xi32>
    %swap3A_419 = vector.shape_cast %add3A_415 : vector<16xi32> to vector<16xi32>
    tpu.vector_store %arg5[%swap3A_416], %swap3A_419 {strides = array<i32>} : memref<1024xi32, #tpu.memory_space<vmem>>, vector<16xi32>,
    %get3A_420 = arith.constant 688 : index
    %get3A_421 = tpu.vector_load %arg5[%get3A_420] {strides = array<i32>} : memref<1024xi32, #tpu.memory_space<vmem>>, vector<16xi32>,
    %get3A_422 = vector.shape_cast %get3A_421 : vector<16xi32> to vector<16xi32>
    %add3A_423 = vector.broadcast %mul3A_34 : i32 to vector<16xi32>
    %add3A_424 = arith.addi %get3A_422, %add3A_423 : vector<16xi32>
    %swap3A_425 = arith.constant 688 : index
    %swap3A_426 = tpu.vector_load %arg5[%swap3A_425] {strides = array<i32>} : memref<1024xi32, #tpu.memory_space<vmem>>, vector<16xi32>,
    %swap3A_427 = vector.shape_cast %swap3A_426 : vector<16xi32> to vector<16xi32>
    %swap3A_428 = vector.shape_cast %add3A_424 : vector<16xi32> to vector<16xi32>
    tpu.vector_store %arg5[%swap3A_425], %swap3A_428 {strides = array<i32>} : memref<1024xi32, #tpu.memory_space<vmem>>, vector<16xi32>,
    %get3A_429 = arith.constant 704 : index
    %get3A_430 = tpu.vector_load %arg5[%get3A_429] {strides = array<i32>} : memref<1024xi32, #tpu.memory_space<vmem>>, vector<16xi32>,
    %get3A_431 = vector.shape_cast %get3A_430 : vector<16xi32> to vector<16xi32>
    %add3A_432 = vector.broadcast %mul3A_34 : i32 to vector<16xi32>
    %add3A_433 = arith.addi %get3A_431, %add3A_432 : vector<16xi32>
    %swap3A_434 = arith.constant 704 : index
    %swap3A_435 = tpu.vector_load %arg5[%swap3A_434] {strides = array<i32>} : memref<1024xi32, #tpu.memory_space<vmem>>, vector<16xi32>,
    %swap3A_436 = vector.shape_cast %swap3A_435 : vector<16xi32> to vector<16xi32>
    %swap3A_437 = vector.shape_cast %add3A_433 : vector<16xi32> to vector<16xi32>
    tpu.vector_store %arg5[%swap3A_434], %swap3A_437 {strides = array<i32>} : memref<1024xi32, #tpu.memory_space<vmem>>, vector<16xi32>,
    %get3A_438 = arith.constant 720 : index
    %get3A_439 = tpu.vector_load %arg5[%get3A_438] {strides = array<i32>} : memref<1024xi32, #tpu.memory_space<vmem>>, vector<16xi32>,
    %get3A_440 = vector.shape_cast %get3A_439 : vector<16xi32> to vector<16xi32>
    %add3A_441 = vector.broadcast %mul3A_34 : i32 to vector<16xi32>
    %add3A_442 = arith.addi %get3A_440, %add3A_441 : vector<16xi32>
    %swap3A_443 = arith.constant 720 : index
    %swap3A_444 = tpu.vector_load %arg5[%swap3A_443] {strides = array<i32>} : memref<1024xi32, #tpu.memory_space<vmem>>, vector<16xi32>,
    %swap3A_445 = vector.shape_cast %swap3A_444 : vector<16xi32> to vector<16xi32>
    %swap3A_446 = vector.shape_cast %add3A_442 : vector<16xi32> to vector<16xi32>
    tpu.vector_store %arg5[%swap3A_443], %swap3A_446 {strides = array<i32>} : memref<1024xi32, #tpu.memory_space<vmem>>, vector<16xi32>,
    %get3A_447 = arith.constant 736 : index
    %get3A_448 = tpu.vector_load %arg5[%get3A_447] {strides = array<i32>} : memref<1024xi32, #tpu.memory_space<vmem>>, vector<16xi32>,
    %get3A_449 = vector.shape_cast %get3A_448 : vector<16xi32> to vector<16xi32>
    %add3A_450 = vector.broadcast %mul3A_34 : i32 to vector<16xi32>
    %add3A_451 = arith.addi %get3A_449, %add3A_450 : vector<16xi32>
    %swap3A_452 = arith.constant 736 : index
    %swap3A_453 = tpu.vector_load %arg5[%swap3A_452] {strides = array<i32>} : memref<1024xi32, #tpu.memory_space<vmem>>, vector<16xi32>,
    %swap3A_454 = vector.shape_cast %swap3A_453 : vector<16xi32> to vector<16xi32>
    %swap3A_455 = vector.shape_cast %add3A_451 : vector<16xi32> to vector<16xi32>
    tpu.vector_store %arg5[%swap3A_452], %swap3A_455 {strides = array<i32>} : memref<1024xi32, #tpu.memory_space<vmem>>, vector<16xi32>,
    %get3A_456 = arith.constant 752 : index
    %get3A_457 = tpu.vector_load %arg5[%get3A_456] {strides = array<i32>} : memref<1024xi32, #tpu.memory_space<vmem>>, vector<16xi32>,
    %get3A_458 = vector.shape_cast %get3A_457 : vector<16xi32> to vector<16xi32>
    %add3A_459 = vector.broadcast %mul3A_34 : i32 to vector<16xi32>
    %add3A_460 = arith.addi %get3A_458, %add3A_459 : vector<16xi32>
    %swap3A_461 = arith.constant 752 : index
    %swap3A_462 = tpu.vector_load %arg5[%swap3A_461] {strides = array<i32>} : memref<1024xi32, #tpu.memory_space<vmem>>, vector<16xi32>,
    %swap3A_463 = vector.shape_cast %swap3A_462 : vector<16xi32> to vector<16xi32>
    %swap3A_464 = vector.shape_cast %add3A_460 : vector<16xi32> to vector<16xi32>
    tpu.vector_store %arg5[%swap3A_461], %swap3A_464 {strides = array<i32>} : memref<1024xi32, #tpu.memory_space<vmem>>, vector<16xi32>,
    %get3A_465 = arith.constant 768 : index
    %get3A_466 = tpu.vector_load %arg5[%get3A_465] {strides = array<i32>} : memref<1024xi32, #tpu.memory_space<vmem>>, vector<16xi32>,
    %get3A_467 = vector.shape_cast %get3A_466 : vector<16xi32> to vector<16xi32>
    %add3A_468 = vector.broadcast %mul3A_34 : i32 to vector<16xi32>
    %add3A_469 = arith.addi %get3A_467, %add3A_468 : vector<16xi32>
    %swap3A_470 = arith.constant 768 : index
    %swap3A_471 = tpu.vector_load %arg5[%swap3A_470] {strides = array<i32>} : memref<1024xi32, #tpu.memory_space<vmem>>, vector<16xi32>,
    %swap3A_472 = vector.shape_cast %swap3A_471 : vector<16xi32> to vector<16xi32>
    %swap3A_473 = vector.shape_cast %add3A_469 : vector<16xi32> to vector<16xi32>
    tpu.vector_store %arg5[%swap3A_470], %swap3A_473 {strides = array<i32>} : memref<1024xi32, #tpu.memory_space<vmem>>, vector<16xi32>,
    %get3A_474 = arith.constant 784 : index
    %get3A_475 = tpu.vector_load %arg5[%get3A_474] {strides = array<i32>} : memref<1024xi32, #tpu.memory_space<vmem>>, vector<16xi32>,
    %get3A_476 = vector.shape_cast %get3A_475 : vector<16xi32> to vector<16xi32>
    %add3A_477 = vector.broadcast %mul3A_34 : i32 to vector<16xi32>
    %add3A_478 = arith.addi %get3A_476, %add3A_477 : vector<16xi32>
    %swap3A_479 = arith.constant 784 : index
    %swap3A_480 = tpu.vector_load %arg5[%swap3A_479] {strides = array<i32>} : memref<1024xi32, #tpu.memory_space<vmem>>, vector<16xi32>,
    %swap3A_481 = vector.shape_cast %swap3A_480 : vector<16xi32> to vector<16xi32>
    %swap3A_482 = vector.shape_cast %add3A_478 : vector<16xi32> to vector<16xi32>
    tpu.vector_store %arg5[%swap3A_479], %swap3A_482 {strides = array<i32>} : memref<1024xi32, #tpu.memory_space<vmem>>, vector<16xi32>,
    %get3A_483 = arith.constant 800 : index
    %get3A_484 = tpu.vector_load %arg5[%get3A_483] {strides = array<i32>} : memref<1024xi32, #tpu.memory_space<vmem>>, vector<16xi32>,
    %get3A_485 = vector.shape_cast %get3A_484 : vector<16xi32> to vector<16xi32>
    %add3A_486 = vector.broadcast %mul3A_34 : i32 to vector<16xi32>
    %add3A_487 = arith.addi %get3A_485, %add3A_486 : vector<16xi32>
    %swap3A_488 = arith.constant 800 : index
    %swap3A_489 = tpu.vector_load %arg5[%swap3A_488] {strides = array<i32>} : memref<1024xi32, #tpu.memory_space<vmem>>, vector<16xi32>,
    %swap3A_490 = vector.shape_cast %swap3A_489 : vector<16xi32> to vector<16xi32>
    %swap3A_491 = vector.shape_cast %add3A_487 : vector<16xi32> to vector<16xi32>
    tpu.vector_store %arg5[%swap3A_488], %swap3A_491 {strides = array<i32>} : memref<1024xi32, #tpu.memory_space<vmem>>, vector<16xi32>,
    %get3A_492 = arith.constant 816 : index
    %get3A_493 = tpu.vector_load %arg5[%get3A_492] {strides = array<i32>} : memref<1024xi32, #tpu.memory_space<vmem>>, vector<16xi32>,
    %get3A_494 = vector.shape_cast %get3A_493 : vector<16xi32> to vector<16xi32>
    %add3A_495 = vector.broadcast %mul3A_34 : i32 to vector<16xi32>
    %add3A_496 = arith.addi %get3A_494, %add3A_495 : vector<16xi32>
    %swap3A_497 = arith.constant 816 : index
    %swap3A_498 = tpu.vector_load %arg5[%swap3A_497] {strides = array<i32>} : memref<1024xi32, #tpu.memory_space<vmem>>, vector<16xi32>,
    %swap3A_499 = vector.shape_cast %swap3A_498 : vector<16xi32> to vector<16xi32>
    %swap3A_500 = vector.shape_cast %add3A_496 : vector<16xi32> to vector<16xi32>
    tpu.vector_store %arg5[%swap3A_497], %swap3A_500 {strides = array<i32>} : memref<1024xi32, #tpu.memory_space<vmem>>, vector<16xi32>,
    %get3A_501 = arith.constant 832 : index
    %get3A_502 = tpu.vector_load %arg5[%get3A_501] {strides = array<i32>} : memref<1024xi32, #tpu.memory_space<vmem>>, vector<16xi32>,
    %get3A_503 = vector.shape_cast %get3A_502 : vector<16xi32> to vector<16xi32>
    %add3A_504 = vector.broadcast %mul3A_34 : i32 to vector<16xi32>
    %add3A_505 = arith.addi %get3A_503, %add3A_504 : vector<16xi32>
    %swap3A_506 = arith.constant 832 : index
    %swap3A_507 = tpu.vector_load %arg5[%swap3A_506] {strides = array<i32>} : memref<1024xi32, #tpu.memory_space<vmem>>, vector<16xi32>,
    %swap3A_508 = vector.shape_cast %swap3A_507 : vector<16xi32> to vector<16xi32>
    %swap3A_509 = vector.shape_cast %add3A_505 : vector<16xi32> to vector<16xi32>
    tpu.vector_store %arg5[%swap3A_506], %swap3A_509 {strides = array<i32>} : memref<1024xi32, #tpu.memory_space<vmem>>, vector<16xi32>,
    %get3A_510 = arith.constant 848 : index
    %get3A_511 = tpu.vector_load %arg5[%get3A_510] {strides = array<i32>} : memref<1024xi32, #tpu.memory_space<vmem>>, vector<16xi32>,
    %get3A_512 = vector.shape_cast %get3A_511 : vector<16xi32> to vector<16xi32>
    %add3A_513 = vector.broadcast %mul3A_34 : i32 to vector<16xi32>
    %add3A_514 = arith.addi %get3A_512, %add3A_513 : vector<16xi32>
    %swap3A_515 = arith.constant 848 : index
    %swap3A_516 = tpu.vector_load %arg5[%swap3A_515] {strides = array<i32>} : memref<1024xi32, #tpu.memory_space<vmem>>, vector<16xi32>,
    %swap3A_517 = vector.shape_cast %swap3A_516 : vector<16xi32> to vector<16xi32>
    %swap3A_518 = vector.shape_cast %add3A_514 : vector<16xi32> to vector<16xi32>
    tpu.vector_store %arg5[%swap3A_515], %swap3A_518 {strides = array<i32>} : memref<1024xi32, #tpu.memory_space<vmem>>, vector<16xi32>,
    %get3A_519 = arith.constant 864 : index
    %get3A_520 = tpu.vector_load %arg5[%get3A_519] {strides = array<i32>} : memref<1024xi32, #tpu.memory_space<vmem>>, vector<16xi32>,
    %get3A_521 = vector.shape_cast %get3A_520 : vector<16xi32> to vector<16xi32>
    %add3A_522 = vector.broadcast %mul3A_34 : i32 to vector<16xi32>
    %add3A_523 = arith.addi %get3A_521, %add3A_522 : vector<16xi32>
    %swap3A_524 = arith.constant 864 : index
    %swap3A_525 = tpu.vector_load %arg5[%swap3A_524] {strides = array<i32>} : memref<1024xi32, #tpu.memory_space<vmem>>, vector<16xi32>,
    %swap3A_526 = vector.shape_cast %swap3A_525 : vector<16xi32> to vector<16xi32>
    %swap3A_527 = vector.shape_cast %add3A_523 : vector<16xi32> to vector<16xi32>
    tpu.vector_store %arg5[%swap3A_524], %swap3A_527 {strides = array<i32>} : memref<1024xi32, #tpu.memory_space<vmem>>, vector<16xi32>,
    %get3A_528 = arith.constant 880 : index
    %get3A_529 = tpu.vector_load %arg5[%get3A_528] {strides = array<i32>} : memref<1024xi32, #tpu.memory_space<vmem>>, vector<16xi32>,
    %get3A_530 = vector.shape_cast %get3A_529 : vector<16xi32> to vector<16xi32>
    %add3A_531 = vector.broadcast %mul3A_34 : i32 to vector<16xi32>
    %add3A_532 = arith.addi %get3A_530, %add3A_531 : vector<16xi32>
    %swap3A_533 = arith.constant 880 : index
    %swap3A_534 = tpu.vector_load %arg5[%swap3A_533] {strides = array<i32>} : memref<1024xi32, #tpu.memory_space<vmem>>, vector<16xi32>,
    %swap3A_535 = vector.shape_cast %swap3A_534 : vector<16xi32> to vector<16xi32>
    %swap3A_536 = vector.shape_cast %add3A_532 : vector<16xi32> to vector<16xi32>
    tpu.vector_store %arg5[%swap3A_533], %swap3A_536 {strides = array<i32>} : memref<1024xi32, #tpu.memory_space<vmem>>, vector<16xi32>,
    %get3A_537 = arith.constant 896 : index
    %get3A_538 = tpu.vector_load %arg5[%get3A_537] {strides = array<i32>} : memref<1024xi32, #tpu.memory_space<vmem>>, vector<16xi32>,
    %get3A_539 = vector.shape_cast %get3A_538 : vector<16xi32> to vector<16xi32>
    %add3A_540 = vector.broadcast %mul3A_34 : i32 to vector<16xi32>
    %add3A_541 = arith.addi %get3A_539, %add3A_540 : vector<16xi32>
    %swap3A_542 = arith.constant 896 : index
    %swap3A_543 = tpu.vector_load %arg5[%swap3A_542] {strides = array<i32>} : memref<1024xi32, #tpu.memory_space<vmem>>, vector<16xi32>,
    %swap3A_544 = vector.shape_cast %swap3A_543 : vector<16xi32> to vector<16xi32>
    %swap3A_545 = vector.shape_cast %add3A_541 : vector<16xi32> to vector<16xi32>
    tpu.vector_store %arg5[%swap3A_542], %swap3A_545 {strides = array<i32>} : memref<1024xi32, #tpu.memory_space<vmem>>, vector<16xi32>,
    %get3A_546 = arith.constant 912 : index
    %get3A_547 = tpu.vector_load %arg5[%get3A_546] {strides = array<i32>} : memref<1024xi32, #tpu.memory_space<vmem>>, vector<16xi32>,
    %get3A_548 = vector.shape_cast %get3A_547 : vector<16xi32> to vector<16xi32>
    %add3A_549 = vector.broadcast %mul3A_34 : i32 to vector<16xi32>
    %add3A_550 = arith.addi %get3A_548, %add3A_549 : vector<16xi32>
    %swap3A_551 = arith.constant 912 : index
    %swap3A_552 = tpu.vector_load %arg5[%swap3A_551] {strides = array<i32>} : memref<1024xi32, #tpu.memory_space<vmem>>, vector<16xi32>,
    %swap3A_553 = vector.shape_cast %swap3A_552 : vector<16xi32> to vector<16xi32>
    %swap3A_554 = vector.shape_cast %add3A_550 : vector<16xi32> to vector<16xi32>
    tpu.vector_store %arg5[%swap3A_551], %swap3A_554 {strides = array<i32>} : memref<1024xi32, #tpu.memory_space<vmem>>, vector<16xi32>,
    %get3A_555 = arith.constant 928 : index
    %get3A_556 = tpu.vector_load %arg5[%get3A_555] {strides = array<i32>} : memref<1024xi32, #tpu.memory_space<vmem>>, vector<16xi32>,
    %get3A_557 = vector.shape_cast %get3A_556 : vector<16xi32> to vector<16xi32>
    %add3A_558 = vector.broadcast %mul3A_34 : i32 to vector<16xi32>
    %add3A_559 = arith.addi %get3A_557, %add3A_558 : vector<16xi32>
    %swap3A_560 = arith.constant 928 : index
    %swap3A_561 = tpu.vector_load %arg5[%swap3A_560] {strides = array<i32>} : memref<1024xi32, #tpu.memory_space<vmem>>, vector<16xi32>,
    %swap3A_562 = vector.shape_cast %swap3A_561 : vector<16xi32> to vector<16xi32>
    %swap3A_563 = vector.shape_cast %add3A_559 : vector<16xi32> to vector<16xi32>
    tpu.vector_store %arg5[%swap3A_560], %swap3A_563 {strides = array<i32>} : memref<1024xi32, #tpu.memory_space<vmem>>, vector<16xi32>,
    %get3A_564 = arith.constant 944 : index
    %get3A_565 = tpu.vector_load %arg5[%get3A_564] {strides = array<i32>} : memref<1024xi32, #tpu.memory_space<vmem>>, vector<16xi32>,
    %get3A_566 = vector.shape_cast %get3A_565 : vector<16xi32> to vector<16xi32>
    %add3A_567 = vector.broadcast %mul3A_34 : i32 to vector<16xi32>
    %add3A_568 = arith.addi %get3A_566, %add3A_567 : vector<16xi32>
    %swap3A_569 = arith.constant 944 : index
    %swap3A_570 = tpu.vector_load %arg5[%swap3A_569] {strides = array<i32>} : memref<1024xi32, #tpu.memory_space<vmem>>, vector<16xi32>,
    %swap3A_571 = vector.shape_cast %swap3A_570 : vector<16xi32> to vector<16xi32>
    %swap3A_572 = vector.shape_cast %add3A_568 : vector<16xi32> to vector<16xi32>
    tpu.vector_store %arg5[%swap3A_569], %swap3A_572 {strides = array<i32>} : memref<1024xi32, #tpu.memory_space<vmem>>, vector<16xi32>,
    %get3A_573 = arith.constant 960 : index
    %get3A_574 = tpu.vector_load %arg5[%get3A_573] {strides = array<i32>} : memref<1024xi32, #tpu.memory_space<vmem>>, vector<16xi32>,
    %get3A_575 = vector.shape_cast %get3A_574 : vector<16xi32> to vector<16xi32>
    %add3A_576 = vector.broadcast %mul3A_34 : i32 to vector<16xi32>
    %add3A_577 = arith.addi %get3A_575, %add3A_576 : vector<16xi32>
    %swap3A_578 = arith.constant 960 : index
    %swap3A_579 = tpu.vector_load %arg5[%swap3A_578] {strides = array<i32>} : memref<1024xi32, #tpu.memory_space<vmem>>, vector<16xi32>,
    %swap3A_580 = vector.shape_cast %swap3A_579 : vector<16xi32> to vector<16xi32>
    %swap3A_581 = vector.shape_cast %add3A_577 : vector<16xi32> to vector<16xi32>
    tpu.vector_store %arg5[%swap3A_578], %swap3A_581 {strides = array<i32>} : memref<1024xi32, #tpu.memory_space<vmem>>, vector<16xi32>,
    %get3A_582 = arith.constant 976 : index
    %get3A_583 = tpu.vector_load %arg5[%get3A_582] {strides = array<i32>} : memref<1024xi32, #tpu.memory_space<vmem>>, vector<16xi32>,
    %get3A_584 = vector.shape_cast %get3A_583 : vector<16xi32> to vector<16xi32>
    %add3A_585 = vector.broadcast %mul3A_34 : i32 to vector<16xi32>
    %add3A_586 = arith.addi %get3A_584, %add3A_585 : vector<16xi32>
    %swap3A_587 = arith.constant 976 : index
    %swap3A_588 = tpu.vector_load %arg5[%swap3A_587] {strides = array<i32>} : memref<1024xi32, #tpu.memory_space<vmem>>, vector<16xi32>,
    %swap3A_589 = vector.shape_cast %swap3A_588 : vector<16xi32> to vector<16xi32>
    %swap3A_590 = vector.shape_cast %add3A_586 : vector<16xi32> to vector<16xi32>
    tpu.vector_store %arg5[%swap3A_587], %swap3A_590 {strides = array<i32>} : memref<1024xi32, #tpu.memory_space<vmem>>, vector<16xi32>,
    %get3A_591 = arith.constant 992 : index
    %get3A_592 = tpu.vector_load %arg5[%get3A_591] {strides = array<i32>} : memref<1024xi32, #tpu.memory_space<vmem>>, vector<16xi32>,
    %get3A_593 = vector.shape_cast %get3A_592 : vector<16xi32> to vector<16xi32>
    %add3A_594 = vector.broadcast %mul3A_34 : i32 to vector<16xi32>
    %add3A_595 = arith.addi %get3A_593, %add3A_594 : vector<16xi32>
    %swap3A_596 = arith.constant 992 : index
    %swap3A_597 = tpu.vector_load %arg5[%swap3A_596] {strides = array<i32>} : memref<1024xi32, #tpu.memory_space<vmem>>, vector<16xi32>,
    %swap3A_598 = vector.shape_cast %swap3A_597 : vector<16xi32> to vector<16xi32>
    %swap3A_599 = vector.shape_cast %add3A_595 : vector<16xi32> to vector<16xi32>
    tpu.vector_store %arg5[%swap3A_596], %swap3A_599 {strides = array<i32>} : memref<1024xi32, #tpu.memory_space<vmem>>, vector<16xi32>,
    %get3A_600 = arith.constant 1008 : index
    %get3A_601 = tpu.vector_load %arg5[%get3A_600] {strides = array<i32>} : memref<1024xi32, #tpu.memory_space<vmem>>, vector<16xi32>,
    %get3A_602 = vector.shape_cast %get3A_601 : vector<16xi32> to vector<16xi32>
    %add3A_603 = vector.broadcast %mul3A_34 : i32 to vector<16xi32>
    %add3A_604 = arith.addi %get3A_602, %add3A_603 : vector<16xi32>
    %swap3A_605 = arith.constant 1008 : index
    %swap3A_606 = tpu.vector_load %arg5[%swap3A_605] {strides = array<i32>} : memref<1024xi32, #tpu.memory_space<vmem>>, vector<16xi32>,
    %swap3A_607 = vector.shape_cast %swap3A_606 : vector<16xi32> to vector<16xi32>
    %swap3A_608 = vector.shape_cast %add3A_604 : vector<16xi32> to vector<16xi32>
    tpu.vector_store %arg5[%swap3A_605], %swap3A_608 {strides = array<i32>} : memref<1024xi32, #tpu.memory_space<vmem>>, vector<16xi32>,
    %mul3A_609 = arith.constant 1024 : i32
    %mul3A_610 = arith.muli %add3A, %mul3A_609 : i32
    %add3A_611 = arith.constant 0 : i32
    %add3A_612 = arith.addi %mul3A_610, %add3A_611 : i32
    %dma_start3A = arith.constant 0 : i32
    %dma_start3A_613 = tpu.memref_slice %arg2[%add3A_612, %dma_start3A] : memref<32768x768xf32, #tpu.memory_space<hbm>> -> memref<32x768xf32, #tpu.memory_space<hbm>>
    %dma_start3A_614 = arith.constant 0 : i32
    %dma_start3A_615 = tpu.memref_slice %arg2[%add3A_612, %dma_start3A_614] : memref<32768x768xf32, #tpu.memory_space<hbm>> -> memref<32x768xf32, #tpu.memory_space<hbm>>
    tpu.enqueue_dma source(%dma_start3A_615 : memref<32x768xf32, #tpu.memory_space<hbm>>) target(%arg6 : memref<32x768xf32, #tpu.memory_space<vmem>>) target_semaphore(%arg10 : memref<!tpu.dma_semaphore, #tpu.memory_space<semaphore_mem>>)
    %dma_wait3A = arith.constant 0 : i32
    %dma_wait3A_616 = tpu.memref_slice %arg2[%add3A_612, %dma_wait3A] : memref<32768x768xf32, #tpu.memory_space<hbm>> -> memref<32x768xf32, #tpu.memory_space<hbm>>
    %dma_wait3A_617 = arith.constant 0 : i32
    %dma_wait3A_618 = tpu.memref_slice %arg2[%add3A_612, %dma_wait3A_617] : memref<32768x768xf32, #tpu.memory_space<hbm>> -> memref<32x768xf32, #tpu.memory_space<hbm>>
    tpu.wait_dma2 semaphore(%arg10 : memref<!tpu.dma_semaphore, #tpu.memory_space<semaphore_mem>>) src(%dma_wait3A_618 : memref<32x768xf32, #tpu.memory_space<hbm>>) dst(%arg6 : memref<32x768xf32, #tpu.memory_space<vmem>>)
    %add3A_619 = arith.constant 0 : i32
    %add3A_620 = arith.addi %mul3A_610, %add3A_619 : i32
    %dma_start3A_621 = arith.constant 0 : i32
    %dma_start3A_622 = tpu.memref_slice %arg4[%add3A_620, %dma_start3A_621] : memref<32768x768xf32, #tpu.memory_space<hbm>> -> memref<32x768xf32, #tpu.memory_space<hbm>>
    %dma_start3A_623 = arith.constant 0 : i32
    %dma_start3A_624 = tpu.memref_slice %arg4[%add3A_620, %dma_start3A_623] : memref<32768x768xf32, #tpu.memory_space<hbm>> -> memref<32x768xf32, #tpu.memory_space<hbm>>
    tpu.enqueue_dma source(%arg6 : memref<32x768xf32, #tpu.memory_space<vmem>>) target(%dma_start3A_624 : memref<32x768xf32, #tpu.memory_space<hbm>>) target_semaphore(%arg14 : memref<!tpu.dma_semaphore, #tpu.memory_space<semaphore_mem>>)
    %dma_wait3A_625 = arith.constant 0 : i32
    %dma_wait3A_626 = tpu.memref_slice %arg4[%add3A_620, %dma_wait3A_625] : memref<32768x768xf32, #tpu.memory_space<hbm>> -> memref<32x768xf32, #tpu.memory_space<hbm>>
    %dma_wait3A_627 = arith.constant 0 : i32
    %dma_wait3A_628 = tpu.memref_slice %arg4[%add3A_620, %dma_wait3A_627] : memref<32768x768xf32, #tpu.memory_space<hbm>> -> memref<32x768xf32, #tpu.memory_space<hbm>>
    tpu.wait_dma2 semaphore(%arg14 : memref<!tpu.dma_semaphore, #tpu.memory_space<semaphore_mem>>) src(%arg6 : memref<32x768xf32, #tpu.memory_space<vmem>>) dst(%dma_wait3A_628 : memref<32x768xf32, #tpu.memory_space<hbm>>)
    return
  }
}

</mosaic_0001>

<sc_bundles>
// kernel: kernel.3.cloned.1.call-start
scs
__scs_entry_jumppad:
0x0: {  	(pc) =	sbr.rel $0x88, $3  }
0x1: {  	(tag) =	ssettag $0x0;
	lr =	simm.s32 $0x1  }
0x2: {  	[smem:$0x3F9F] =	sst lr;
	_ =	strace $0xD0000000  }
0x3: {  	_ = 	snop  }
0x4: {  	_ = 	snop  }
0x5: {  	_ = 	snop  }
0x6: {  	_ = 	snop  }
0x7: {  	_ = 	snop  }
__scs_overlays_trampoline_lowered:
0x8: {  	[smem:$0x3FAE] =	sst s0  }
0x9: {  	[smem:$0x3FAF] =	sst s1  }
0xa: {  	[smem:$0x3FB0] =	sst s2  }
0xb: {  	[smem:$0x3FB1] =	sst s3  }
0xc: {  	[smem:$0x3FB2] =	sst s4  }
0xd: {  	[smem:$0x3FB3] =	sst s5  }
0xe: {  	[smem:$0x3FB4] =	sst s6  }
0xf: {  	[smem:$0x3FB5] =	sst s7  }
0x10: {  	[smem:$0x3FB6] =	sst s8  }
0x11: {  	[smem:$0x3FB7] =	sst s9;
	s0 =	simm.s32 @!p0 $0x0  }
0x12: {  	s1 =	sld [smem:$0x3F9D];
	s0 =	simm.s32 @p0 $0x1  }
0x13: {  	[smem:$0x3FB8] =	sst s0;
	s0 =	simm.s32 @!p1 $0x0  }
0x14: {  	s2 =	sld [smem:$0x3F9C];
	s0 =	simm.s32 @p1 $0x1  }
0x15: {  	[smem:$0x3FB9] =	sst s0;
	s0 =	simm.s32 @!p2 $0x0  }
0x16: {  	s3 =	sld [smem:$0x3FDB];
	s0 =	simm.s32 @p2 $0x1  }
0x17: {  	s4 =	simm.s32 $0x1BF5;
	[smem:$0x3FBB] =	sst s0  }
0x18: {  	s0 =	sld [smem:$0x3F9E];
	_ =	swait.ge [sflag:s4], $0x0  }
0x19: {  	s7 =	sld [smem:$0x3F9F]  }
0x1a: {  	s8 =	sadd.s32 $0xFFFFE003, lr  }
0x1b: {  	s9 =	sadd.s32 $0xFFFFFEF7, lr;
	s5 =	simm.s32 $0xFFFFFFFF;
	p2 =	slt.u32 s8, $0xFFFFF086  }
0x1c: {  	p1 =	slt.u32 s9, $0xF7A;
	s5 =	simm.s32 @!p2 $0x0  }
0x1d: {  	s5 =	simm.s32 @p1 $0x1;
	p0 =	seq.s32 s7, s2  }
0x1e: {  	s7 =	smul.u32 @!p0 $0xF7A, s2;
	p2 =	seq.s32 @!p0 s5, $0x0  }
0x1f: {  	s9 =	smul.u32 $0xF7A, s1;
	s8 =	simm.s32 @!p0 $0x1BF5;
	p2 =	por !p2, p0  }
0x20: {  	[sflag:s8] =	ssyncset.s32 @!p0 $0xFFFFF086;
	s6 =	sadd.s32 @!p0 s3, s7;
	s7 =	simm.s32 @!p0 $0x108  }
0x21: {  	s3 =	sadd.s32 s3, s9;
	s6 =	sadd.s32 @!p0 $0x88, s6;
	s7 =	simm.s32 @p2 $0x1082  }
0x22: {  	[simem:s7], [sflag:s8] =	dma.local @!p0 [hbm:s6], $0xF7A  }
0x23: {  	s9 =	sor.u32 $0xD0000000, s2;
	s6 =	simm.s32 $0x108;
	_ =	swait.ge @!p0 [sflag:s8], $0x0  }
0x24: {  	s3 =	sadd.s32 $0x88, s3;
	s6 =	simm.s32 @!p1 $0x1082;
	[sflag:s4] =	ssyncset.s32 $0xFFFFF086  }
0x25: {  	[simem:s6], [sflag:s4] =	dma.local [hbm:s3], $0xF7A  }
0x26: {  	[smem:$0x3F9F] =	sst s1;
	(tag) =	ssettag s2;
	_ =	strace s9  }
0x27: {  	s1 =	sld [smem:$0x3FAF]  }
0x28: {  	s2 =	sld [smem:$0x3FB0]  }
0x29: {  	s4 =	sld [smem:$0x3FB2]  }
0x2a: {  	p0 =	seq.s32 s5, $0x0;
	s5 =	sld [smem:$0x3FB3]  }
0x2b: {  	s6 =	sld [smem:$0x3FB4]  }
0x2c: {  	s7 =	sld [smem:$0x3FB5]  }
0x2d: {  	s3 =	simm.s32 $0x108;
	s8 =	sld [smem:$0x3FB6]  }
0x2e: {  	s3 =	simm.s32 @!p0 $0x1082;
	s9 =	sld [smem:$0x3FB7]  }
0x2f: {  	lr =	sadd.s32 s0, s3;
	s0 =	sld [smem:$0x3FAE]  }
0x30: {  	s3 =	sld [smem:$0x3FB1]  }
0x31: {  	[smem:$0x3FBA] =	sst s10  }
0x32: {  	s10 =	sld [smem:$0x3FB8];
	_ =	sdelay $0x3  }
0x33: {  	p0 =	seq.s32 s10, $0x1;
	s10 =	sld [smem:$0x3FBA];
	_ =	sdelay $0x3  }
0x34: {  	[smem:$0x3FBA] =	sst s10  }
0x35: {  	s10 =	sld [smem:$0x3FB9];
	_ =	sdelay $0x3  }
0x36: {  	p1 =	seq.s32 s10, $0x1;
	s10 =	sld [smem:$0x3FBA];
	_ =	sdelay $0x3  }
0x37: {  	[smem:$0x3FBA] =	sst s10  }
0x38: {  	s10 =	sld [smem:$0x3FBB]  }
0x39: {  	_ = 	snop;
	(pc) =	sbr.ind lr, $3  }
0x3a: {  	_ = 	snop  }
0x3b: {  	_ = 	snop  }
0x3c: {  	p2 =	seq.s32 s10, $0x1;
	s10 =	sld [smem:$0x3FBA]  }
0x3d: {  	_ =	shalt  }
0x3e: {  	_ =	shalt  }
0x3f: {  	_ =	shalt  }
0x40: {  	_ =	shalt  }
0x41: {  	_ =	shalt  }
0x42: {  	_ =	shalt  }
0x43: {  	_ =	shalt  }
0x44: {  	_ =	shalt  }
0x45: {  	_ =	shalt  }
0x46: {  	_ =	shalt  }
0x47: {  	_ =	shalt  }
0x48: {  	_ =	shalt  }
0x49: {  	_ =	shalt  }
0x4a: {  	_ =	shalt  }
0x4b: {  	_ =	shalt  }
0x4c: {  	_ =	shalt  }
0x4d: {  	_ =	shalt  }
0x4e: {  	_ =	shalt  }
0x4f: {  	_ =	shalt  }
0x50: {  	_ =	shalt  }
0x51: {  	_ =	shalt  }
0x52: {  	_ =	shalt  }
0x53: {  	_ =	shalt  }
0x54: {  	_ =	shalt  }
0x55: {  	_ =	shalt  }
0x56: {  	_ =	shalt  }
0x57: {  	_ =	shalt  }
0x58: {  	_ =	shalt  }
0x59: {  	_ =	shalt  }
0x5a: {  	_ =	shalt  }
0x5b: {  	_ =	shalt  }
0x5c: {  	_ =	shalt  }
0x5d: {  	_ =	shalt  }
0x5e: {  	_ =	shalt  }
0x5f: {  	_ =	shalt  }
0x60: {  	_ =	shalt  }
0x61: {  	_ =	shalt  }
0x62: {  	_ =	shalt  }
0x63: {  	_ =	shalt  }
0x64: {  	_ =	shalt  }
0x65: {  	_ =	shalt  }
0x66: {  	_ =	shalt  }
0x67: {  	_ =	shalt  }
0x68: {  	_ =	shalt  }
0x69: {  	_ =	shalt  }
0x6a: {  	_ =	shalt  }
0x6b: {  	_ =	shalt  }
0x6c: {  	_ =	shalt  }
0x6d: {  	_ =	shalt  }
0x6e: {  	_ =	shalt  }
0x6f: {  	_ =	shalt  }
0x70: {  	_ =	shalt  }
0x71: {  	_ =	shalt  }
0x72: {  	_ =	shalt  }
0x73: {  	_ =	shalt  }
0x74: {  	_ =	shalt  }
0x75: {  	_ =	shalt  }
0x76: {  	_ =	shalt  }
0x77: {  	_ =	shalt  }
0x78: {  	_ =	shalt  }
0x79: {  	_ =	shalt  }
0x7a: {  	_ =	shalt  }
0x7b: {  	_ =	shalt  }
0x7c: {  	_ =	shalt  }
0x7d: {  	_ =	shalt  }
0x7e: {  	_ =	shalt  }
0x7f: {  	_ =	shalt  }
0x80: {  	_ =	shalt  }
0x81: {  	_ =	shalt  }
0x82: {  	_ =	shalt  }
0x83: {  	_ =	shalt  }
0x84: {  	_ =	shalt  }
0x85: {  	_ =	shalt  }
0x86: {  	_ =	shalt  }
0x87: {  	_ =	shalt  }
.Lfunc_end0:
.L_simem_size_0:
called_computation_lowered:
.L_overlay_start_0:
0x88: {  	s2 =	sld [smem:$0x3FD9]  }
0x89: {  	s3 =	sld [smem:$0x3FFE];
	_ =	sdelay $0x1  }
0x8a: {  	s1 =	srdreg.scid  }
0x8b: {  	s0 =	sand.u32 $0x1, s1  }
0x8c: {  	s18 =	sshll.u32 s0, $0xA;
	s2 =	sadd.s32 s3, s2  }
0x8d: {  	s2 =	sadd.s32 s2, s18  }
0x8e: {  	[smem:$0x3FC6] =	sst s2  }
0x8f: {  	_ = 	snop  }
0x90: {  	s2 =	sld [smem:$0x3FC9]  }
0x91: {  	s19 =	sld [smem:$0x3FC8]  }
0x92: {  	s4 =	sld [smem:$0x3FD0];
	(tm) =	ssettm $0x1  }
0x93: {  	s5 =	sld [smem:$0x3FFB];
	_ =	sdelay $0x3  }
0x94: {  	_ =	strace s5  }
0x95: {  	s5 =	sld [smem:$0x3FFC];
	_ =	sdelay $0x3  }
0x96: {  	_ =	strace s5  }
0x97: {  	s5 =	sld [smem:$0x3FFD];
	_ =	sdelay $0x3  }
0x98: {  	_ =	strace s5  }
0x99: {  	_ =	strace $0x8FFFFFFF  }
0x9a: {  	s20 =	sld [smem:$0x3FDB];
	_ =	sdelay $0x1  }
0x9b: {  	s6 =	simm.s32 $_scs_section_size  }
0x9c: {  	s7 =	simm.s32 $_size__tile_overlayer_lowered;
	s8 =	simm.s32 $_tile_overlayer_lowered  }
0x9d: {  	s23 =	simm.s32 $0x1BFF;
	s22 =	sshll.u32 s8, $0x1;
	s5 =	sadd.s32 s6, s20  }
0x9e: {  	s9 =	simm.s32 $0x0;
	s21 =	sshll.u32 s7, $0x1;
	s7 =	sadd.s32 s22, s5  }
0x9f: {  	[timem:s9], [sflag:s23] =	dma.local [hbm:s7], s21  }
0xa0: {  	_ =	swait.ge [sflag:s23], s21  }
0xa1: {  	s6 =	ssub.s32 $0x0, s21;
	[sflag:s23] =	ssyncset.done $0x0  }
0xa2: {  	[sflag:s23] =	ssyncadd.s32 s6;
	_ =	sdelay $0x1  }
0xa3: {  	s24 =	simm.s32 $0x1B8B  }
0xa4: {  	_ =	swait.ge [sflag:s24], $0x1  }
0xa5: {  	[sflag:s24] =	ssyncset.done $0x0  }
0xa6: {  	s25 =	simm.s32 $0x1B8E;
	[sflag:s24] =	ssyncadd.s32 $0xFFFFFFFF  }
0xa7: {  	s26 =	simm.s32 $execute0_lowered;
	[smem:$0x3FD2] =	sst s25  }
0xa8: {  	s6 =	sshll.u32 s26, $0x1;
	_ =	strace $0x80000046;
	[dreg:$0x1] =	wrdreg $0xFFFFFFFF  }
0xa9: {  	s28 =	simm.s32 $_size_execute0_lowered;
	s5 =	sadd.s32 s5, s6;
	[dreg:$0x0] =	wrdreg $0x0  }
0xaa: {  	s6 =	sshll.u32 s28, $0x1;
	[dreg:$0x2] =	wrdreg s5  }
0xab: {  	[dreg:$0x3] =	wrdreg s6  }
0xac: {  	[dreg:$0x4] =	wrdreg $0xC0  }
0xad: {  	_ =	task [dreg:s9], $0x5FFFF  }
0xae: {  	[dreg:$0x1] =	wrdreg $0xFFFFFFFF  }
0xaf: {  	[dreg:$0x0] =	wrdreg $0x60  }
0xb0: {  	[dreg:$0x2] =	wrdreg s2  }
0xb1: {  	[dreg:$0x3] =	wrdreg s19  }
0xb2: {  	[dreg:$0x4] =	wrdreg s4  }
0xb3: {  	[dreg:$0x5] =	wrdreg $0x9  }
0xb4: {  	_ =	task.clear_ibuf [dreg:s9], $0x6FFFF;
	_ =	strace $0x90000046  }
0xb5: {  	s29 =	simm.s32 $0x9;
	_ =	strace $0x80000048  }
0xb6: {  	_ =	swait.ge [sflag:s29], $0x1  }
0xb7: {  	[sflag:s29] =	ssyncadd.s32 $0xFFFFFFFF  }
0xb8: {  	_ =	strace $0x90000048  }
0xb9: {  	_ =	sfence  }
0xba: {  	s30 =	sld [smem:$0x0];
	_ =	sdelay $0x2  }
0xbb: {  	s31 =	sshll.u32 s1, $0xD;
	s1 =	sshrl.u32 s1, $0x2  }
0xbc: {  	s3 =	sand.u32 $0x4000, s31;
	s1 =	sadd.s32 s1, s30  }
0xbd: {  	s0 =	sor.u32 s3, s0;
	s1 =	sshll.u32 s1, $0x11  }
0xbe: {  	s0 =	sor.u32 s1, s0  }
0xbf: {  	s0 =	sadd.s32 $0x8F2B, s0  }
0xc0: {  	[sflag:s0] =	ssyncadd.remote.s32 $0x1  }
0xc1: {  	_ =	sfence.sel $0xFFFF  }
0xc2: {  	[dreg:$0x0] =	wrdreg $0xFFFFFFFF;
	(pc) =	sbr.abs _section_cstart, $3  }
0xc3: {  	[dreg:$0x1] =	wrdreg $0xFFFFFFFF  }
0xc4: {  	_ =	task.clear_ibuf [dreg:s9], $0x2FFFF;
	_ =	strace $0x9FFFFFFF  }
0xc5: {  	(tm) =	ssettm $0x7FFFFFFF  }
tec
execute0_lowered:
.L_overlay_start_1:
0x0: {  	(tag) =	ssettag $0x1  }
0x1: {  	s5 =	rddreg [dreg:$0x0]  }
0x2: {  	s4 =	rddreg [dreg:$0x1];
	s0 =	srdreg.scid  }
0x3: {  	s6 =	rddreg [dreg:$0x2];
	s1 =	stileid.u32  }
0x4: {  	s2 =	simm.s32 $0x0;
	s10 =	simm.s32 $0x1;
	s3 =	sand.u32 $0x1, s0  }
0x5: {  	s0 =	rddreg [dreg:$0x3];
	s8 =	sand.u32 $0x7, s1;
	s7 =	sshll.u32 s3, $0x4  }
0x6: {  	[smem:$0x7FF] =	sst s2;
	p1 =	sne.s32 s8, $0x0;
	s7 =	sor.u32 s1, s7  }
0x7: {  	_ =	strace $0x80000047;
	s3 =	ssub.s32 $0x2, s3;
	p0 =	seq.s32 s7, $0x0  }
0x8: {  	s8 =	sshll.u32 s8, $0x7;
	s9 =	sshrl.u32 s3, $0x1;
	p0 =	por !p1, !p0  }
0x9: {  	s4 =	sadd.s32 s4, s8;
	s8 =	simm.s32 $0x3;
	p0 =	por !p0, !p0  }
0xa: {  	s30 =	sshrl.u32 s7, $0x3;
	s7 =	smul.u32 $0x18000, s7;
	s10 =	simm.s32 @!p0 $0x0  }
0xb: {  	s9 =	ssub.s32 s3, s9;
	s3 =	simm.s32 $0x1;
	s10 =	ssub.s32 s30, s10  }
0xc: {  	s5 =	sadd.s32 s5, s7;
	s6 =	sadd.s32 s6, s7;
	s31 =	sshll.u32 s10, $0xD  }
0xd: {  	s7 =	smax.u32 s9, $0x1;
	s9 =	simm.s32 $0x400;
	s10 =	simm.s32 $0x2;
	v0 =	vmov s31  }
.LBB2_1:
0xe: {  	[tilespmem:s2], [sflag:$0x3] =	stream.linear.gather [hbm4b:s4+s2], $0x400, $0x38;
	[tilespmem:$0x6400] =	vst v63  }
0xf: {  	_ =	swait.ge [sflag:s8], $0x400  }
0x10: {  	[sflag:s8] =	ssyncset.done $0x0  }
0x11: {  	[sflag:s8] =	ssyncadd.s32 $0xFFFFFC00  }
0x12: {  	v1 =	vld [tilespmem:$0x0]  }
0x13: {  	v2 =	vld [tilespmem:$0x10]  }
0x14: {  	v3 =	vld [tilespmem:$0x20]  }
0x15: {  	v4 =	vld [tilespmem:$0x30]  }
0x16: {  	v5 =	vld [tilespmem:$0x40]  }
0x17: {  	v6 =	vld [tilespmem:$0x50];
	v1 =	vadd.s32 v0, v1  }
0x18: {  	[tilespmem:$0x0] =	vst v1;
	v1 =	vadd.s32 v0, v2;
	v2 =	vld [tilespmem:$0x60]  }
0x19: {  	[tilespmem:$0x10] =	vst v1;
	v1 =	vadd.s32 v0, v3;
	v3 =	vld [tilespmem:$0x70]  }
0x1a: {  	v30 =	vld [tilespmem:$0x80];
	[tilespmem:$0x20] =	vst v1;
	v1 =	vadd.s32 v0, v4  }
0x1b: {  	v31 =	vld [tilespmem:$0x90];
	[tilespmem:$0x30] =	vst v1;
	v1 =	vadd.s32 v0, v5  }
0x1c: {  	v32 =	vld [tilespmem:$0xA0];
	[tilespmem:$0x40] =	vst v1;
	v1 =	vadd.s32 v0, v6  }
0x1d: {  	[tilespmem:$0x50] =	vst v1;
	v1 =	vadd.s32 v0, v2;
	v2 =	vld [tilespmem:$0xB0]  }
0x1e: {  	[tilespmem:$0x60] =	vst v1;
	v1 =	vadd.s32 v0, v3;
	v3 =	vld [tilespmem:$0xC0]  }
0x1f: {  	v33 =	vld [tilespmem:$0xD0];
	[tilespmem:$0x70] =	vst v1;
	v1 =	vadd.s32 v0, v30  }
0x20: {  	v34 =	vld [tilespmem:$0xE0];
	[tilespmem:$0x80] =	vst v1;
	v1 =	vadd.s32 v0, v31  }
0x21: {  	v35 =	vld [tilespmem:$0xF0];
	[tilespmem:$0x90] =	vst v1;
	v1 =	vadd.s32 v0, v32  }
0x22: {  	[tilespmem:$0xA0] =	vst v1;
	v1 =	vadd.s32 v0, v2;
	v2 =	vld [tilespmem:$0x100]  }
0x23: {  	[tilespmem:$0xB0] =	vst v1;
	v1 =	vadd.s32 v0, v3;
	v3 =	vld [tilespmem:$0x110]  }
0x24: {  	v36 =	vld [tilespmem:$0x120];
	[tilespmem:$0xC0] =	vst v1;
	v1 =	vadd.s32 v0, v33  }
0x25: {  	v37 =	vld [tilespmem:$0x130];
	[tilespmem:$0xD0] =	vst v1;
	v1 =	vadd.s32 v0, v34  }
0x26: {  	v38 =	vld [tilespmem:$0x140];
	[tilespmem:$0xE0] =	vst v1;
	v1 =	vadd.s32 v0, v35  }
0x27: {  	[tilespmem:$0xF0] =	vst v1;
	v1 =	vadd.s32 v0, v2;
	v2 =	vld [tilespmem:$0x150]  }
0x28: {  	[tilespmem:$0x100] =	vst v1;
	v1 =	vadd.s32 v0, v3;
	v3 =	vld [tilespmem:$0x160]  }
0x29: {  	v39 =	vld [tilespmem:$0x170];
	[tilespmem:$0x110] =	vst v1;
	v1 =	vadd.s32 v0, v36  }
0x2a: {  	v40 =	vld [tilespmem:$0x180];
	[tilespmem:$0x120] =	vst v1;
	v1 =	vadd.s32 v0, v37  }
0x2b: {  	v41 =	vld [tilespmem:$0x190];
	[tilespmem:$0x130] =	vst v1;
	v1 =	vadd.s32 v0, v38  }
0x2c: {  	[tilespmem:$0x140] =	vst v1;
	v1 =	vadd.s32 v0, v2;
	v2 =	vld [tilespmem:$0x1A0]  }
0x2d: {  	[tilespmem:$0x150] =	vst v1;
	v1 =	vadd.s32 v0, v3;
	v3 =	vld [tilespmem:$0x1B0]  }
0x2e: {  	v42 =	vld [tilespmem:$0x1C0];
	[tilespmem:$0x160] =	vst v1;
	v1 =	vadd.s32 v0, v39  }
0x2f: {  	v43 =	vld [tilespmem:$0x1D0];
	[tilespmem:$0x170] =	vst v1;
	v1 =	vadd.s32 v0, v40  }
0x30: {  	v44 =	vld [tilespmem:$0x1E0];
	[tilespmem:$0x180] =	vst v1;
	v1 =	vadd.s32 v0, v41  }
0x31: {  	[tilespmem:$0x190] =	vst v1;
	v1 =	vadd.s32 v0, v2;
	v2 =	vld [tilespmem:$0x1F0]  }
0x32: {  	[tilespmem:$0x1A0] =	vst v1;
	v1 =	vadd.s32 v0, v3;
	v3 =	vld [tilespmem:$0x200]  }
0x33: {  	v45 =	vld [tilespmem:$0x210];
	[tilespmem:$0x1B0] =	vst v1;
	v1 =	vadd.s32 v0, v42  }
0x34: {  	v46 =	vld [tilespmem:$0x220];
	[tilespmem:$0x1C0] =	vst v1;
	v1 =	vadd.s32 v0, v43  }
0x35: {  	v47 =	vld [tilespmem:$0x230];
	[tilespmem:$0x1D0] =	vst v1;
	v1 =	vadd.s32 v0, v44  }
0x36: {  	[tilespmem:$0x1E0] =	vst v1;
	v1 =	vadd.s32 v0, v2;
	v2 =	vld [tilespmem:$0x240]  }
0x37: {  	[tilespmem:$0x1F0] =	vst v1;
	v1 =	vadd.s32 v0, v3;
	v3 =	vld [tilespmem:$0x250]  }
0x38: {  	v48 =	vld [tilespmem:$0x260];
	[tilespmem:$0x200] =	vst v1;
	v1 =	vadd.s32 v0, v45  }
0x39: {  	v49 =	vld [tilespmem:$0x270];
	[tilespmem:$0x210] =	vst v1;
	v1 =	vadd.s32 v0, v46  }
0x3a: {  	v50 =	vld [tilespmem:$0x280];
	[tilespmem:$0x220] =	vst v1;
	v1 =	vadd.s32 v0, v47  }
0x3b: {  	[tilespmem:$0x230] =	vst v1;
	v1 =	vadd.s32 v0, v2;
	v2 =	vld [tilespmem:$0x290]  }
0x3c: {  	[tilespmem:$0x240] =	vst v1;
	v1 =	vadd.s32 v0, v3;
	v3 =	vld [tilespmem:$0x2A0]  }
0x3d: {  	v51 =	vld [tilespmem:$0x2B0];
	[tilespmem:$0x250] =	vst v1;
	v1 =	vadd.s32 v0, v48  }
0x3e: {  	v52 =	vld [tilespmem:$0x2C0];
	[tilespmem:$0x260] =	vst v1;
	v1 =	vadd.s32 v0, v49  }
0x3f: {  	v53 =	vld [tilespmem:$0x2D0];
	[tilespmem:$0x270] =	vst v1;
	v1 =	vadd.s32 v0, v50  }
0x40: {  	[tilespmem:$0x280] =	vst v1;
	v1 =	vadd.s32 v0, v2;
	v2 =	vld [tilespmem:$0x2E0]  }
0x41: {  	[tilespmem:$0x290] =	vst v1;
	v1 =	vadd.s32 v0, v3;
	v3 =	vld [tilespmem:$0x2F0]  }
0x42: {  	v54 =	vld [tilespmem:$0x300];
	[tilespmem:$0x2A0] =	vst v1;
	v1 =	vadd.s32 v0, v51  }
0x43: {  	v55 =	vld [tilespmem:$0x310];
	[tilespmem:$0x2B0] =	vst v1;
	v1 =	vadd.s32 v0, v52  }
0x44: {  	v56 =	vld [tilespmem:$0x320];
	[tilespmem:$0x2C0] =	vst v1;
	v1 =	vadd.s32 v0, v53  }
0x45: {  	[tilespmem:$0x2D0] =	vst v1;
	v1 =	vadd.s32 v0, v2;
	v2 =	vld [tilespmem:$0x330]  }
0x46: {  	[tilespmem:$0x2E0] =	vst v1;
	v1 =	vadd.s32 v0, v3;
	v3 =	vld [tilespmem:$0x340]  }
0x47: {  	v57 =	vld [tilespmem:$0x350];
	[tilespmem:$0x2F0] =	vst v1;
	v1 =	vadd.s32 v0, v54  }
0x48: {  	v58 =	vld [tilespmem:$0x360];
	[tilespmem:$0x300] =	vst v1;
	v1 =	vadd.s32 v0, v55  }
0x49: {  	v59 =	vld [tilespmem:$0x370];
	[tilespmem:$0x310] =	vst v1;
	v1 =	vadd.s32 v0, v56  }
0x4a: {  	[tilespmem:$0x320] =	vst v1;
	v1 =	vadd.s32 v0, v2;
	v2 =	vld [tilespmem:$0x380]  }
0x4b: {  	[tilespmem:$0x330] =	vst v1;
	v1 =	vadd.s32 v0, v3;
	v3 =	vld [tilespmem:$0x390]  }
0x4c: {  	v60 =	vld [tilespmem:$0x3A0];
	[tilespmem:$0x340] =	vst v1;
	v1 =	vadd.s32 v0, v57  }
0x4d: {  	v61 =	vld [tilespmem:$0x3B0];
	[tilespmem:$0x350] =	vst v1;
	v1 =	vadd.s32 v0, v58  }
0x4e: {  	v62 =	vld [tilespmem:$0x3C0];
	[tilespmem:$0x360] =	vst v1;
	v1 =	vadd.s32 v0, v59  }
0x4f: {  	[tilespmem:$0x370] =	vst v1;
	v1 =	vadd.s32 v0, v2;
	v2 =	vld [tilespmem:$0x3D0]  }
0x50: {  	[tilespmem:$0x380] =	vst v1;
	v1 =	vadd.s32 v0, v3;
	v3 =	vld [tilespmem:$0x3E0]  }
0x51: {  	v63 =	vld [tilespmem:$0x3F0];
	[tilespmem:$0x390] =	vst v1;
	v1 =	vadd.s32 v0, v60  }
0x52: {  	[tilespmem:$0x3A0] =	vst v1;
	v1 =	vadd.s32 v0, v61  }
0x53: {  	[tilespmem:$0x3B0] =	vst v1;
	v1 =	vadd.s32 v0, v62  }
0x54: {  	[tilespmem:$0x3C0] =	vst v1;
	v1 =	vadd.s32 v0, v2  }
0x55: {  	[tilespmem:$0x3D0] =	vst v1;
	v1 =	vadd.s32 v0, v3  }
0x56: {  	[tilespmem:$0x3E0] =	vst v1;
	v1 =	vadd.s32 v0, v63  }
0x57: {  	[tilespmem:$0x3F0] =	vst v1  }
0x58: {  	[tilespmem:s9], [sflag:$0x1] =	stream.linear.gather [hbm4b:s5+s2], $0x6000, $0x38;
	[tilespmem:$0x6400] =	vst v63  }
0x59: {  	_ =	swait.ge [sflag:s3], $0x6000  }
0x5a: {  	p0 =	sne.s32 s7, $0x1;
	[sflag:s3] =	ssyncset.done $0x0  }
.Ltmp0:
0x5b: {  	[sflag:s3] =	ssyncadd.s32 $0xFFFFA000;
	(pc) =	sbr.rel @p0 .LBB2_1-.Ltmp0, $4  }
0x5c: {  	[hbm4b:s6+s2] =	stream.linear.scatter [tilespmem:s9], [sflag:$0x2], $0x6000, $0x38;
	[tilespmem:$0x6400] =	vst v63  }
0x5d: {  	_ =	swait.ge [sflag:s10], $0x6000  }
0x5e: {  	[sflag:s10] =	ssyncset.done $0x0  }
0x5f: {  	s7 =	sadd.s32 $0xFFFFFFFF, s7;
	[sflag:s10] =	ssyncadd.s32 $0xFFFFA000  }
0x60: {  	_ =	sfence.sel $0x180000  }
0x61: {  	[bflag:$0x0] =	sbarrier.arrive $0xFFFF  }
0x62: {  	p0 =	sne.s32 s1, $0x0;
	_ =	strace $0x90000047  }
0x63: {  	s0 =	sadd.s32 @!p0 $0x100000, s0;
	[bflag:$0x2] =	sbarrier.arrive $0xFFFF  }
0x64: {  	[sflag:s0] =	ssyncadd.tile.s32 @!p0 $0x1;
	_ =	shalt  }
.Lfunc_end2:
_tile_overlayer_lowered:
.L_overlay_start_2:
0x65: {  	(tag) =	ssettag $0x2  }
0x66: {  	s0 =	rddreg [dreg:$0x0];
	s2 =	stileid.u32  }
0x67: {  	s1 =	rddreg [dreg:$0x1];
	p0 =	sne.s32 s2, $0x0  }
0x68: {  	s3 =	rddreg [dreg:$0x2];
	[bflag:$0x3] =	sbarrier.arrive $0xFFFF;
	s2 =	simm.s32 @!p0 $0x1C03  }
0x69: {  	[timem:s3], [sflag:s2] =	dma.local @!p0 [hbm:s0], s1  }
0x6a: {  	s0 =	simm.s32 @!p0 $0x3  }
0x6b: {  	_ =	swait.ge @!p0 [sflag:s0], s1  }
0x6c: {  	s1 =	ssub.s32 @!p0 $0x0, s1;
	[sflag:s0] =	ssyncset.done @!p0 $0x0  }
0x6d: {  	[sflag:s0] =	ssyncadd.s32 @!p0 s1  }
0x6e: {  	[bflag:$0x3] =	sbarrier.arrive $0xFFFF  }
0x6f: {  	_ =	shalt  }

</sc_bundles>
